<compile_context>
chip_gen: v7x
topology: tpu7x:2x2x1
jax: 0.10.2.dev20260603
libtpu: 0.0.44.dev20260713+nightly
codegen_flags: <defaults>
</compile_context>

<pallas_src>
import functools

import jax
import jax.numpy as jnp
from jax import lax
from jax.experimental import pallas as pl
from jax.experimental.pallas import tpu as pltpu
from jax.experimental.pallas import tpu_sc as plsc

_LN2 = 0.6931471805599453

N = 10000
NBR = 32
D = 128
S = 16
F = 64
CUTOFF = 0.5
E = N * NBR
NH = NBR // 2
ZR = 1024
NT = N + ZR

NC, NS = 2, 16
NW = NC * NS
EPW = E // NW
CH = 400


def _ssp(v):
    return jnp.maximum(v, 0.0) + jnp.log1p(jnp.exp(-jnp.abs(v))) - _LN2


def _in2f_body(x_ref, w_ref, o_ref):
    o_ref[0:N, :] = jnp.dot(x_ref[...], w_ref[...],
                            preferred_element_type=jnp.float32)
    o_ref[N:NT, :] = jnp.zeros((NT - N, F), jnp.float32)


def _in2f(x2, w_in):
    return pl.pallas_call(
        _in2f_body,
        out_shape=jax.ShapeDtypeStruct((NT, F), jnp.float32),
    )(x2, w_in)


def _sc_gather(table, idx):
    mesh = plsc.VectorSubcoreMesh(core_axis_name="c", subcore_axis_name="s")

    @functools.partial(
        pl.kernel,
        out_type=jax.ShapeDtypeStruct((NH, N, D), jnp.float32),
        mesh=mesh,
        scratch_types=[
            pltpu.VMEM((EPW,), jnp.int32),
            pltpu.VMEM((CH, F), jnp.float32),
            pltpu.VMEM((CH, F), jnp.float32),
            pltpu.SemaphoreType.DMA,
            pltpu.SemaphoreType.DMA,
        ],
        compiler_params=pltpu.CompilerParams(use_tc_tiling_on_sc=False),
    )
    def k(table_hbm, idx_hbm, out_hbm, idx_v, rows_a, rows_b, sem_g, sem_w):
        wid = lax.axis_index("s") * NC + lax.axis_index("c")
        half = wid // NH
        slot = wid % NH
        pltpu.sync_copy(idx_hbm.at[pl.ds(wid * EPW, EPW)], idx_v)
        bufs = (rows_a, rows_b)
        nch = EPW // CH

        def gather(i):
            return pltpu.async_copy(
                table_hbm.at[idx_v.at[pl.ds(i * CH, CH)]],
                bufs[i % 2], sem_g)

        def write(i):
            return pltpu.async_copy(
                bufs[i % 2],
                out_hbm.at[slot, pl.ds(i * CH, CH), pl.ds(half * F, F)],
                sem_w)

        g = gather(0)
        w_prev = None
        for i in range(nch):
            g.wait()
            if w_prev is not None:
                w_prev.wait()
            if i + 1 < nch:
                g = gather(i + 1)
            w_cur = write(i)
            w_prev = w_cur if i + 1 < nch else None
            if i + 1 >= nch:
                w_cur.wait()

    return k(table, idx)


def _filt_body(fa_ref, fb_ref, w1t_ref, b1_ref, w2t_ref, b2_ref, o_ref):
    ws = []
    for f_ref in (fa_ref, fb_ref):
        h = jnp.dot(w1t_ref[...], f_ref[0, 0],
                    preferred_element_type=jnp.float32) + b1_ref[...]
        ws.append(jnp.dot(w2t_ref[...], _ssp(h),
                          preferred_element_type=jnp.float32) + b2_ref[...])
    wcat = jnp.concatenate(ws, axis=0)
    o_ref[...] = wcat.T[None]


def _filt(ft, w1t, b1c, w2t, b2c):
    full2 = lambda j: (0, 0)
    return pl.pallas_call(
        _filt_body,
        grid=(NH,),
        in_specs=[
            pl.BlockSpec((1, 1, S, N), lambda j: (0, j, 0, 0)),
            pl.BlockSpec((1, 1, S, N), lambda j: (0, j + NH, 0, 0)),
            pl.BlockSpec((F, S), full2),
            pl.BlockSpec((F, 1), full2),
            pl.BlockSpec((F, F), full2),
            pl.BlockSpec((F, 1), full2),
        ],
        out_specs=pl.BlockSpec((1, N, D), lambda j: (j, 0, 0)),
        out_shape=jax.ShapeDtypeStruct((NH, N, D), jnp.float32),
    )(ft, ft, w1t, b1c, w2t, b2c)


def _tail_body(g_ref, w_ref, wo2_ref, bo_ref, wd_ref, bd_ref, o_ref):
    p = (g_ref[...] * w_ref[...]).sum(axis=0)
    y = _ssp(jnp.dot(p, wo2_ref[...],
                     preferred_element_type=jnp.float32) + bo_ref[...])
    o_ref[...] = jnp.dot(y, wd_ref[...],
                         preferred_element_type=jnp.float32) + bd_ref[...]


def _tail(gp, wp, wo2, bo, wd, bd, ta):
    grid = N // ta
    full = lambda i: (0, 0)
    return pl.pallas_call(
        functools.partial(_tail_body),
        grid=(grid,),
        in_specs=[
            pl.BlockSpec((NH, ta, D), lambda i: (0, i, 0)),
            pl.BlockSpec((NH, ta, D), lambda i: (0, i, 0)),
            pl.BlockSpec((D, D), full),
            pl.BlockSpec((1, D), full),
            pl.BlockSpec((D, D), full),
            pl.BlockSpec((1, D), full),
        ],
        out_specs=pl.BlockSpec((ta, D), lambda i: (i, 0)),
        out_shape=jax.ShapeDtypeStruct((N, D), jnp.float32),
    )(gp, wp, wo2, bo, wd, bd)


def kernel(x, r_ij, neighbors, neighbor_mask, f_ij,
           W1, b1, W2, b2, W_in, W_out, b_out, W_d, b_d):
    x2 = x.reshape(N, D)
    keep = (r_ij <= CUTOFF) & (neighbor_mask != 0)
    ii = lax.broadcasted_iota(jnp.int32, (1, N, NBR), 1)
    jj = lax.broadcasted_iota(jnp.int32, (1, N, NBR), 2)
    spread = N + ((ii * NBR + jj) & (ZR - 1))
    idx3 = jnp.where(keep, neighbors.astype(jnp.int32), spread)
    idx = jnp.swapaxes(idx3, 1, 2).reshape(E)
    ft = jnp.transpose(f_ij, (0, 2, 3, 1))

    w1t = W1.T
    w2t = W2.T
    b1c = b1.reshape(F, 1)
    b2c = b2.reshape(F, 1)
    wo2 = jnp.concatenate([W_out, W_out], axis=0)

    y = _in2f(x2, W_in)
    gp = _sc_gather(y, idx)
    wp = _filt(ft, w1t, b1c, w2t, b2c)
    v = _tail(gp, wp, wo2,
              b_out.reshape(1, D), W_d, b_d.reshape(1, D), ta=400)
    return v.reshape(1, N, D)

# --- scband reference (transcript-rebuilt; emitter-appended) ---
"""Pipeline reference for scband-sch-net-interaction-14783277433357 (READ-ONLY COPY).

The authoritative reference and input builder live on the scoring server;
editing this copy changes nothing except your own understanding.
"""

import jax, jax.numpy as jnp
import numpy as np

B, N, NBR = 1, 10000, 32
N_ATOM_BASIS = 128
N_SPATIAL = 16
N_FILTERS = 64
CUTOFF = 0.5

def shifted_softplus(x):
    return jax.nn.softplus(x) - jnp.log(2.0)

def setup_inputs(seed: int = 0) -> dict:
    key = jax.random.key(seed)
    ks = jax.random.split(key, 12)
    x = jax.random.normal(ks[0], (B, N, N_ATOM_BASIS), dtype=jnp.float32)
    r_ij = jax.random.uniform(ks[1], (B, N, NBR), dtype=jnp.float32)
    neighbors = jax.random.randint(ks[2], (B, N, NBR), 0, N, dtype=jnp.int64)
    neighbor_mask = jnp.ones((B, N, NBR), dtype=jnp.float32)
    f_ij = jax.random.normal(ks[3], (B, N, NBR, N_SPATIAL), dtype=jnp.float32)
    def init_w(k, fan_in, fan_out):
        return (jax.random.normal(k, (fan_in, fan_out), dtype=jnp.float32) / np.sqrt(fan_in)).astype(jnp.float32)
    W1 = init_w(ks[4], N_SPATIAL, N_FILTERS)
    b1 = jnp.zeros((N_FILTERS,), dtype=jnp.float32)
    W2 = init_w(ks[5], N_FILTERS, N_FILTERS)
    b2 = jnp.zeros((N_FILTERS,), dtype=jnp.float32)
    W_in = init_w(ks[6], N_ATOM_BASIS, N_FILTERS)  # CFConv in2f, bias=False
    W_out = init_w(ks[7], N_FILTERS, N_ATOM_BASIS)  # CFConv f2out
    b_out = jnp.zeros((N_ATOM_BASIS,), dtype=jnp.float32)
    W_d = init_w(ks[8], N_ATOM_BASIS, N_ATOM_BASIS)  # final dense
    b_d = jnp.zeros((N_ATOM_BASIS,), dtype=jnp.float32)
    return {"x": x, "r_ij": r_ij, "neighbors": neighbors, "neighbor_mask": neighbor_mask,
            "f_ij": f_ij, "W1": W1, "b1": b1, "W2": W2, "b2": b2, "W_in": W_in,
            "W_out": W_out, "b_out": b_out, "W_d": W_d, "b_d": b_d}

def reference(x, r_ij, neighbors, neighbor_mask, f_ij,
              W1, b1, W2, b2, W_in, W_out, b_out, W_d, b_d):
    # filter_network: Dense(ssp) -> Dense(linear), applied per (atom, neighbor)
    W = shifted_softplus(f_ij @ W1 + b1) @ W2 + b2  # [B, N, NBR, F]
    # HardCutoff on interatomic distances
    C = (r_ij <= CUTOFF).astype(x.dtype)  # [B, N, NBR]
    W = W * C[..., None]
    # CFConv: in2f (no bias), gather neighbor features
    y = x @ W_in  # [B, N, F]
    nbh = neighbors.reshape(B, N * NBR)  # [B, N*NBR]
    y = jnp.take_along_axis(y, nbh[..., None], axis=1)  # [B, N*NBR, F]
    y = y.reshape(B, N, NBR, N_FILTERS)
    # element-wise filter, mask virtual neighbors, sum-aggregate over neighbors
    y = y * W
    y = y * neighbor_mask[..., None]
    y = jnp.sum(y, axis=2)  # normalize_filter=False -> sum
    # f2out with shifted_softplus activation
    y = shifted_softplus(y @ W_out + b_out)
    # final atom-wise dense (linear)
    v = y @ W_d + b_d
    return v

if __name__ == "__main__":
    import jax
    _d = setup_inputs()
    print(jax.jit(kernel)(*tuple(_d.values())))

</pallas_src>

<mosaic_0001>
#map = affine_map<(d0, d1) -> (0, 0)>
#map1 = affine_map<(d0, d1) -> (0)>
#map2 = affine_map<(d0, d1) -> (0, 0, 0)>
module attributes {stable_mosaic.version = 14 : i64} {
  func.func @k(%arg0: i32, %arg1: i32, %arg2: memref<11024x64xf32, #tpu.memory_space<hbm>>, %arg3: memref<320000xi32, #tpu.memory_space<hbm>>, %arg4: memref<16x10000x128xf32, #tpu.memory_space<hbm>>, %arg5: memref<10000xi32, #tpu.memory_space<vmem>>, %arg6: memref<400x64xf32, #tpu.memory_space<vmem>>, %arg7: memref<400x64xf32, #tpu.memory_space<vmem>>, %arg8: memref<!tpu.dma_semaphore, #tpu.memory_space<semaphore_mem>>, %arg9: memref<!tpu.dma_semaphore, #tpu.memory_space<semaphore_mem>>) attributes {dimension_semantics = [#tpu.dimension_semantics<core_parallel>, #tpu.dimension_semantics<subcore_parallel>], iteration_bounds = array<i64: 2, 16>, scalar_prefetch = 0 : i64, scratch_operands = 5 : i64, tpu.core_type = #tpu.core_type<sc_vector_subcore>, window_params = [{transform_indices = #map}, {transform_indices = #map1}, {transform_indices = #map2}]} {
    %mul3A = arith.constant 2 : i32
    %mul3A_0 = arith.muli %arg1, %mul3A : i32
    %add3A = arith.addi %mul3A_0, %arg0 : i32
    %jit3A = arith.constant 16 : i32
    %div3A = arith.divsi %add3A, %jit3A : i32
    %sign3A = arith.constant 0 : i32
    %sign3A_1 = arith.cmpi sgt, %add3A, %sign3A : i32
    %sign3A_2 = arith.extui %sign3A_1 : i1 to i32
    %sign3A_3 = arith.constant 0 : i32
    %sign3A_4 = arith.cmpi slt, %add3A, %sign3A_3 : i32
    %sign3A_5 = arith.extui %sign3A_4 : i1 to i32
    %sign3A_6 = arith.subi %sign3A_2, %sign3A_5 : i32
    %sign3A_7 = arith.constant 0 : i32
    %sign3A_8 = arith.cmpi sgt, %jit3A, %sign3A_7 : i32
    %sign3A_9 = arith.extui %sign3A_8 : i1 to i32
    %sign3A_10 = arith.constant 0 : i32
    %sign3A_11 = arith.cmpi slt, %jit3A, %sign3A_10 : i32
    %sign3A_12 = arith.extui %sign3A_11 : i1 to i32
    %sign3A_13 = arith.subi %sign3A_9, %sign3A_12 : i32
    %ne3A = arith.cmpi ne, %sign3A_6, %sign3A_13 : i32
    %rem3A = arith.remsi %add3A, %jit3A : i32
    %ne3A_14 = arith.constant 0 : i32
    %ne3A_15 = arith.cmpi ne, %rem3A, %ne3A_14 : i32
    %and3A = arith.andi %ne3A, %ne3A_15 : i1
    %sub3A = arith.constant 1 : i32
    %sub3A_16 = arith.subi %div3A, %sub3A : i32
    %select_n3A = arith.select %and3A, %sub3A_16, %div3A : i32
    %jit3A_17 = arith.constant 16 : i32
    %eq3A = arith.constant 0 : i32
    %eq3A_18 = arith.cmpi eq, %jit3A_17, %eq3A : i32
    %jit3A_19 = arith.constant 1 : i32
    %select_n3A_20 = arith.select %eq3A_18, %jit3A_19, %jit3A_17 : i32
    %rem3A_21 = arith.remsi %add3A, %select_n3A_20 : i32
    %ne3A_22 = arith.constant 0 : i32
    %ne3A_23 = arith.cmpi ne, %rem3A_21, %ne3A_22 : i32
    %lt3A = arith.constant 0 : i32
    %lt3A_24 = arith.cmpi slt, %rem3A_21, %lt3A : i32
    %lt3A_25 = arith.constant 0 : i32
    %lt3A_26 = arith.cmpi slt, %select_n3A_20, %lt3A_25 : i32
    %ne3A_27 = arith.xori %lt3A_24, %lt3A_26 : i1
    %and3A_28 = arith.andi %ne3A_27, %ne3A_23 : i1
    %add3A_29 = arith.addi %rem3A_21, %select_n3A_20 : i32
    %select_n3A_30 = arith.select %and3A_28, %add3A_29, %rem3A_21 : i32
    %mul3A_31 = arith.constant 10000 : i32
    %mul3A_32 = arith.muli %add3A, %mul3A_31 : i32
    "tpu.region"() ({
      %run_scoped3A = tpu.sem_alloc : memref<!tpu.dma_semaphore, #tpu.memory_space<semaphore_mem>>
      %dma_start3A_631 = tpu.memref_slice %arg3[%mul3A_32] : memref<320000xi32, #tpu.memory_space<hbm>> -> memref<10000xi32, #tpu.memory_space<hbm>>
      %dma_start3A_632 = tpu.memref_slice %arg3[%mul3A_32] : memref<320000xi32, #tpu.memory_space<hbm>> -> memref<10000xi32, #tpu.memory_space<hbm>>
      tpu.enqueue_dma source(%dma_start3A_632 : memref<10000xi32, #tpu.memory_space<hbm>>) target(%arg5 : memref<10000xi32, #tpu.memory_space<vmem>>) target_semaphore(%run_scoped3A : memref<!tpu.dma_semaphore, #tpu.memory_space<semaphore_mem>>)
      %dma_wait3A_633 = tpu.memref_slice %arg3[%mul3A_32] : memref<320000xi32, #tpu.memory_space<hbm>> -> memref<10000xi32, #tpu.memory_space<hbm>>
      %dma_wait3A_634 = tpu.memref_slice %arg3[%mul3A_32] : memref<320000xi32, #tpu.memory_space<hbm>> -> memref<10000xi32, #tpu.memory_space<hbm>>
      tpu.wait_dma2 semaphore(%run_scoped3A : memref<!tpu.dma_semaphore, #tpu.memory_space<semaphore_mem>>) src(%dma_wait3A_634 : memref<10000xi32, #tpu.memory_space<hbm>>) dst(%arg5 : memref<10000xi32, #tpu.memory_space<vmem>>)
      tpu.yield
    }) : () -> ()
    %dma_start3A = arith.constant 0 : i32
    %dma_start3A_33 = tpu.memref_slice %arg5[%dma_start3A] : memref<10000xi32, #tpu.memory_space<vmem>> -> memref<400xi32, #tpu.memory_space<vmem>>
    %dma_start3A_34 = arith.constant 0 : i32
    %dma_start3A_35 = arith.constant 0 : i32
    %dma_start3A_36 = tpu.memref_slice %arg2[%dma_start3A_34, %dma_start3A_35] : memref<11024x64xf32, #tpu.memory_space<hbm>> -> memref<11024x64xf32, #tpu.memory_space<hbm>>
    tpu.enqueue_indirect_dma source(%dma_start3A_36 : memref<11024x64xf32, #tpu.memory_space<hbm>>) target(%arg6 : memref<400x64xf32, #tpu.memory_space<vmem>>) offsets(%dma_start3A_33 : memref<400xi32, #tpu.memory_space<vmem>>) semaphore(%arg8 : memref<!tpu.dma_semaphore, #tpu.memory_space<semaphore_mem>>)
    %dma_wait3A = arith.constant 0 : i32
    %dma_wait3A_37 = tpu.memref_slice %arg5[%dma_wait3A] : memref<10000xi32, #tpu.memory_space<vmem>> -> memref<400xi32, #tpu.memory_space<vmem>>
    %dma_wait3A_38 = arith.constant 0 : i32
    %dma_wait3A_39 = arith.constant 0 : i32
    %dma_wait3A_40 = tpu.memref_slice %arg2[%dma_wait3A_38, %dma_wait3A_39] : memref<11024x64xf32, #tpu.memory_space<hbm>> -> memref<11024x64xf32, #tpu.memory_space<hbm>>
    tpu.wait_indirect_dma semaphore(%arg8 : memref<!tpu.dma_semaphore, #tpu.memory_space<semaphore_mem>>) src(%dma_wait3A_40 : memref<11024x64xf32, #tpu.memory_space<hbm>>) dst(%arg6 : memref<400x64xf32, #tpu.memory_space<vmem>>)
    %dma_start3A_41 = arith.constant 400 : i32
    %dma_start3A_42 = tpu.memref_slice %arg5[%dma_start3A_41] : memref<10000xi32, #tpu.memory_space<vmem>> -> memref<400xi32, #tpu.memory_space<vmem>>
    %dma_start3A_43 = arith.constant 0 : i32
    %dma_start3A_44 = arith.constant 0 : i32
    %dma_start3A_45 = tpu.memref_slice %arg2[%dma_start3A_43, %dma_start3A_44] : memref<11024x64xf32, #tpu.memory_space<hbm>> -> memref<11024x64xf32, #tpu.memory_space<hbm>>
    tpu.enqueue_indirect_dma source(%dma_start3A_45 : memref<11024x64xf32, #tpu.memory_space<hbm>>) target(%arg7 : memref<400x64xf32, #tpu.memory_space<vmem>>) offsets(%dma_start3A_42 : memref<400xi32, #tpu.memory_space<vmem>>) semaphore(%arg8 : memref<!tpu.dma_semaphore, #tpu.memory_space<semaphore_mem>>)
    %mul3A_46 = arith.constant 64 : i32
    %mul3A_47 = arith.muli %select_n3A, %mul3A_46 : i32
    %dma_start3A_48 = arith.constant 0 : i32
    %dma_start3A_49 = tpu.memref_slice %arg4[%select_n3A_30, %dma_start3A_48, %mul3A_47] : memref<16x10000x128xf32, #tpu.memory_space<hbm>> -> memref<1x400x64xf32, #tpu.memory_space<hbm>>
    %dma_start3A_50 = tpu.memref_squeeze %dma_start3A_49 : memref<1x400x64xf32, #tpu.memory_space<hbm>> -> memref<400x64xf32, #tpu.memory_space<hbm>>
    %dma_start3A_51 = arith.constant 0 : i32
    %dma_start3A_52 = tpu.memref_slice %arg4[%select_n3A_30, %dma_start3A_51, %mul3A_47] : memref<16x10000x128xf32, #tpu.memory_space<hbm>> -> memref<1x400x64xf32, #tpu.memory_space<hbm>>
    %dma_start3A_53 = tpu.memref_squeeze %dma_start3A_52 : memref<1x400x64xf32, #tpu.memory_space<hbm>> -> memref<400x64xf32, #tpu.memory_space<hbm>>
    tpu.enqueue_dma source(%arg6 : memref<400x64xf32, #tpu.memory_space<vmem>>) target(%dma_start3A_53 : memref<400x64xf32, #tpu.memory_space<hbm>>) target_semaphore(%arg9 : memref<!tpu.dma_semaphore, #tpu.memory_space<semaphore_mem>>)
    %dma_wait3A_54 = arith.constant 400 : i32
    %dma_wait3A_55 = tpu.memref_slice %arg5[%dma_wait3A_54] : memref<10000xi32, #tpu.memory_space<vmem>> -> memref<400xi32, #tpu.memory_space<vmem>>
    %dma_wait3A_56 = arith.constant 0 : i32
    %dma_wait3A_57 = arith.constant 0 : i32
    %dma_wait3A_58 = tpu.memref_slice %arg2[%dma_wait3A_56, %dma_wait3A_57] : memref<11024x64xf32, #tpu.memory_space<hbm>> -> memref<11024x64xf32, #tpu.memory_space<hbm>>
    tpu.wait_indirect_dma semaphore(%arg8 : memref<!tpu.dma_semaphore, #tpu.memory_space<semaphore_mem>>) src(%dma_wait3A_58 : memref<11024x64xf32, #tpu.memory_space<hbm>>) dst(%arg7 : memref<400x64xf32, #tpu.memory_space<vmem>>)
    %dma_wait3A_59 = arith.constant 0 : i32
    %dma_wait3A_60 = tpu.memref_slice %arg4[%select_n3A_30, %dma_wait3A_59, %mul3A_47] : memref<16x10000x128xf32, #tpu.memory_space<hbm>> -> memref<1x400x64xf32, #tpu.memory_space<hbm>>
    %dma_wait3A_61 = tpu.memref_squeeze %dma_wait3A_60 : memref<1x400x64xf32, #tpu.memory_space<hbm>> -> memref<400x64xf32, #tpu.memory_space<hbm>>
    %dma_wait3A_62 = arith.constant 0 : i32
    %dma_wait3A_63 = tpu.memref_slice %arg4[%select_n3A_30, %dma_wait3A_62, %mul3A_47] : memref<16x10000x128xf32, #tpu.memory_space<hbm>> -> memref<1x400x64xf32, #tpu.memory_space<hbm>>
    %dma_wait3A_64 = tpu.memref_squeeze %dma_wait3A_63 : memref<1x400x64xf32, #tpu.memory_space<hbm>> -> memref<400x64xf32, #tpu.memory_space<hbm>>
    tpu.wait_dma2 semaphore(%arg9 : memref<!tpu.dma_semaphore, #tpu.memory_space<semaphore_mem>>) src(%arg6 : memref<400x64xf32, #tpu.memory_space<vmem>>) dst(%dma_wait3A_64 : memref<400x64xf32, #tpu.memory_space<hbm>>)
    %dma_start3A_65 = arith.constant 800 : i32
    %dma_start3A_66 = tpu.memref_slice %arg5[%dma_start3A_65] : memref<10000xi32, #tpu.memory_space<vmem>> -> memref<400xi32, #tpu.memory_space<vmem>>
    %dma_start3A_67 = arith.constant 0 : i32
    %dma_start3A_68 = arith.constant 0 : i32
    %dma_start3A_69 = tpu.memref_slice %arg2[%dma_start3A_67, %dma_start3A_68] : memref<11024x64xf32, #tpu.memory_space<hbm>> -> memref<11024x64xf32, #tpu.memory_space<hbm>>
    tpu.enqueue_indirect_dma source(%dma_start3A_69 : memref<11024x64xf32, #tpu.memory_space<hbm>>) target(%arg6 : memref<400x64xf32, #tpu.memory_space<vmem>>) offsets(%dma_start3A_66 : memref<400xi32, #tpu.memory_space<vmem>>) semaphore(%arg8 : memref<!tpu.dma_semaphore, #tpu.memory_space<semaphore_mem>>)
    %mul3A_70 = arith.constant 64 : i32
    %mul3A_71 = arith.muli %select_n3A, %mul3A_70 : i32
    %dma_start3A_72 = arith.constant 400 : i32
    %dma_start3A_73 = tpu.memref_slice %arg4[%select_n3A_30, %dma_start3A_72, %mul3A_71] : memref<16x10000x128xf32, #tpu.memory_space<hbm>> -> memref<1x400x64xf32, #tpu.memory_space<hbm>>
    %dma_start3A_74 = tpu.memref_squeeze %dma_start3A_73 : memref<1x400x64xf32, #tpu.memory_space<hbm>> -> memref<400x64xf32, #tpu.memory_space<hbm>>
    %dma_start3A_75 = arith.constant 400 : i32
    %dma_start3A_76 = tpu.memref_slice %arg4[%select_n3A_30, %dma_start3A_75, %mul3A_71] : memref<16x10000x128xf32, #tpu.memory_space<hbm>> -> memref<1x400x64xf32, #tpu.memory_space<hbm>>
    %dma_start3A_77 = tpu.memref_squeeze %dma_start3A_76 : memref<1x400x64xf32, #tpu.memory_space<hbm>> -> memref<400x64xf32, #tpu.memory_space<hbm>>
    tpu.enqueue_dma source(%arg7 : memref<400x64xf32, #tpu.memory_space<vmem>>) target(%dma_start3A_77 : memref<400x64xf32, #tpu.memory_space<hbm>>) target_semaphore(%arg9 : memref<!tpu.dma_semaphore, #tpu.memory_space<semaphore_mem>>)
    %dma_wait3A_78 = arith.constant 800 : i32
    %dma_wait3A_79 = tpu.memref_slice %arg5[%dma_wait3A_78] : memref<10000xi32, #tpu.memory_space<vmem>> -> memref<400xi32, #tpu.memory_space<vmem>>
    %dma_wait3A_80 = arith.constant 0 : i32
    %dma_wait3A_81 = arith.constant 0 : i32
    %dma_wait3A_82 = tpu.memref_slice %arg2[%dma_wait3A_80, %dma_wait3A_81] : memref<11024x64xf32, #tpu.memory_space<hbm>> -> memref<11024x64xf32, #tpu.memory_space<hbm>>
    tpu.wait_indirect_dma semaphore(%arg8 : memref<!tpu.dma_semaphore, #tpu.memory_space<semaphore_mem>>) src(%dma_wait3A_82 : memref<11024x64xf32, #tpu.memory_space<hbm>>) dst(%arg6 : memref<400x64xf32, #tpu.memory_space<vmem>>)
    %dma_wait3A_83 = arith.constant 400 : i32
    %dma_wait3A_84 = tpu.memref_slice %arg4[%select_n3A_30, %dma_wait3A_83, %mul3A_71] : memref<16x10000x128xf32, #tpu.memory_space<hbm>> -> memref<1x400x64xf32, #tpu.memory_space<hbm>>
    %dma_wait3A_85 = tpu.memref_squeeze %dma_wait3A_84 : memref<1x400x64xf32, #tpu.memory_space<hbm>> -> memref<400x64xf32, #tpu.memory_space<hbm>>
    %dma_wait3A_86 = arith.constant 400 : i32
    %dma_wait3A_87 = tpu.memref_slice %arg4[%select_n3A_30, %dma_wait3A_86, %mul3A_71] : memref<16x10000x128xf32, #tpu.memory_space<hbm>> -> memref<1x400x64xf32, #tpu.memory_space<hbm>>
    %dma_wait3A_88 = tpu.memref_squeeze %dma_wait3A_87 : memref<1x400x64xf32, #tpu.memory_space<hbm>> -> memref<400x64xf32, #tpu.memory_space<hbm>>
    tpu.wait_dma2 semaphore(%arg9 : memref<!tpu.dma_semaphore, #tpu.memory_space<semaphore_mem>>) src(%arg7 : memref<400x64xf32, #tpu.memory_space<vmem>>) dst(%dma_wait3A_88 : memref<400x64xf32, #tpu.memory_space<hbm>>)
    %dma_start3A_89 = arith.constant 1200 : i32
    %dma_start3A_90 = tpu.memref_slice %arg5[%dma_start3A_89] : memref<10000xi32, #tpu.memory_space<vmem>> -> memref<400xi32, #tpu.memory_space<vmem>>
    %dma_start3A_91 = arith.constant 0 : i32
    %dma_start3A_92 = arith.constant 0 : i32
    %dma_start3A_93 = tpu.memref_slice %arg2[%dma_start3A_91, %dma_start3A_92] : memref<11024x64xf32, #tpu.memory_space<hbm>> -> memref<11024x64xf32, #tpu.memory_space<hbm>>
    tpu.enqueue_indirect_dma source(%dma_start3A_93 : memref<11024x64xf32, #tpu.memory_space<hbm>>) target(%arg7 : memref<400x64xf32, #tpu.memory_space<vmem>>) offsets(%dma_start3A_90 : memref<400xi32, #tpu.memory_space<vmem>>) semaphore(%arg8 : memref<!tpu.dma_semaphore, #tpu.memory_space<semaphore_mem>>)
    %mul3A_94 = arith.constant 64 : i32
    %mul3A_95 = arith.muli %select_n3A, %mul3A_94 : i32
    %dma_start3A_96 = arith.constant 800 : i32
    %dma_start3A_97 = tpu.memref_slice %arg4[%select_n3A_30, %dma_start3A_96, %mul3A_95] : memref<16x10000x128xf32, #tpu.memory_space<hbm>> -> memref<1x400x64xf32, #tpu.memory_space<hbm>>
    %dma_start3A_98 = tpu.memref_squeeze %dma_start3A_97 : memref<1x400x64xf32, #tpu.memory_space<hbm>> -> memref<400x64xf32, #tpu.memory_space<hbm>>
    %dma_start3A_99 = arith.constant 800 : i32
    %dma_start3A_100 = tpu.memref_slice %arg4[%select_n3A_30, %dma_start3A_99, %mul3A_95] : memref<16x10000x128xf32, #tpu.memory_space<hbm>> -> memref<1x400x64xf32, #tpu.memory_space<hbm>>
    %dma_start3A_101 = tpu.memref_squeeze %dma_start3A_100 : memref<1x400x64xf32, #tpu.memory_space<hbm>> -> memref<400x64xf32, #tpu.memory_space<hbm>>
    tpu.enqueue_dma source(%arg6 : memref<400x64xf32, #tpu.memory_space<vmem>>) target(%dma_start3A_101 : memref<400x64xf32, #tpu.memory_space<hbm>>) target_semaphore(%arg9 : memref<!tpu.dma_semaphore, #tpu.memory_space<semaphore_mem>>)
    %dma_wait3A_102 = arith.constant 1200 : i32
    %dma_wait3A_103 = tpu.memref_slice %arg5[%dma_wait3A_102] : memref<10000xi32, #tpu.memory_space<vmem>> -> memref<400xi32, #tpu.memory_space<vmem>>
    %dma_wait3A_104 = arith.constant 0 : i32
    %dma_wait3A_105 = arith.constant 0 : i32
    %dma_wait3A_106 = tpu.memref_slice %arg2[%dma_wait3A_104, %dma_wait3A_105] : memref<11024x64xf32, #tpu.memory_space<hbm>> -> memref<11024x64xf32, #tpu.memory_space<hbm>>
    tpu.wait_indirect_dma semaphore(%arg8 : memref<!tpu.dma_semaphore, #tpu.memory_space<semaphore_mem>>) src(%dma_wait3A_106 : memref<11024x64xf32, #tpu.memory_space<hbm>>) dst(%arg7 : memref<400x64xf32, #tpu.memory_space<vmem>>)
    %dma_wait3A_107 = arith.constant 800 : i32
    %dma_wait3A_108 = tpu.memref_slice %arg4[%select_n3A_30, %dma_wait3A_107, %mul3A_95] : memref<16x10000x128xf32, #tpu.memory_space<hbm>> -> memref<1x400x64xf32, #tpu.memory_space<hbm>>
    %dma_wait3A_109 = tpu.memref_squeeze %dma_wait3A_108 : memref<1x400x64xf32, #tpu.memory_space<hbm>> -> memref<400x64xf32, #tpu.memory_space<hbm>>
    %dma_wait3A_110 = arith.constant 800 : i32
    %dma_wait3A_111 = tpu.memref_slice %arg4[%select_n3A_30, %dma_wait3A_110, %mul3A_95] : memref<16x10000x128xf32, #tpu.memory_space<hbm>> -> memref<1x400x64xf32, #tpu.memory_space<hbm>>
    %dma_wait3A_112 = tpu.memref_squeeze %dma_wait3A_111 : memref<1x400x64xf32, #tpu.memory_space<hbm>> -> memref<400x64xf32, #tpu.memory_space<hbm>>
    tpu.wait_dma2 semaphore(%arg9 : memref<!tpu.dma_semaphore, #tpu.memory_space<semaphore_mem>>) src(%arg6 : memref<400x64xf32, #tpu.memory_space<vmem>>) dst(%dma_wait3A_112 : memref<400x64xf32, #tpu.memory_space<hbm>>)
    %dma_start3A_113 = arith.constant 1600 : i32
    %dma_start3A_114 = tpu.memref_slice %arg5[%dma_start3A_113] : memref<10000xi32, #tpu.memory_space<vmem>> -> memref<400xi32, #tpu.memory_space<vmem>>
    %dma_start3A_115 = arith.constant 0 : i32
    %dma_start3A_116 = arith.constant 0 : i32
    %dma_start3A_117 = tpu.memref_slice %arg2[%dma_start3A_115, %dma_start3A_116] : memref<11024x64xf32, #tpu.memory_space<hbm>> -> memref<11024x64xf32, #tpu.memory_space<hbm>>
    tpu.enqueue_indirect_dma source(%dma_start3A_117 : memref<11024x64xf32, #tpu.memory_space<hbm>>) target(%arg6 : memref<400x64xf32, #tpu.memory_space<vmem>>) offsets(%dma_start3A_114 : memref<400xi32, #tpu.memory_space<vmem>>) semaphore(%arg8 : memref<!tpu.dma_semaphore, #tpu.memory_space<semaphore_mem>>)
    %mul3A_118 = arith.constant 64 : i32
    %mul3A_119 = arith.muli %select_n3A, %mul3A_118 : i32
    %dma_start3A_120 = arith.constant 1200 : i32
    %dma_start3A_121 = tpu.memref_slice %arg4[%select_n3A_30, %dma_start3A_120, %mul3A_119] : memref<16x10000x128xf32, #tpu.memory_space<hbm>> -> memref<1x400x64xf32, #tpu.memory_space<hbm>>
    %dma_start3A_122 = tpu.memref_squeeze %dma_start3A_121 : memref<1x400x64xf32, #tpu.memory_space<hbm>> -> memref<400x64xf32, #tpu.memory_space<hbm>>
    %dma_start3A_123 = arith.constant 1200 : i32
    %dma_start3A_124 = tpu.memref_slice %arg4[%select_n3A_30, %dma_start3A_123, %mul3A_119] : memref<16x10000x128xf32, #tpu.memory_space<hbm>> -> memref<1x400x64xf32, #tpu.memory_space<hbm>>
    %dma_start3A_125 = tpu.memref_squeeze %dma_start3A_124 : memref<1x400x64xf32, #tpu.memory_space<hbm>> -> memref<400x64xf32, #tpu.memory_space<hbm>>
    tpu.enqueue_dma source(%arg7 : memref<400x64xf32, #tpu.memory_space<vmem>>) target(%dma_start3A_125 : memref<400x64xf32, #tpu.memory_space<hbm>>) target_semaphore(%arg9 : memref<!tpu.dma_semaphore, #tpu.memory_space<semaphore_mem>>)
    %dma_wait3A_126 = arith.constant 1600 : i32
    %dma_wait3A_127 = tpu.memref_slice %arg5[%dma_wait3A_126] : memref<10000xi32, #tpu.memory_space<vmem>> -> memref<400xi32, #tpu.memory_space<vmem>>
    %dma_wait3A_128 = arith.constant 0 : i32
    %dma_wait3A_129 = arith.constant 0 : i32
    %dma_wait3A_130 = tpu.memref_slice %arg2[%dma_wait3A_128, %dma_wait3A_129] : memref<11024x64xf32, #tpu.memory_space<hbm>> -> memref<11024x64xf32, #tpu.memory_space<hbm>>
    tpu.wait_indirect_dma semaphore(%arg8 : memref<!tpu.dma_semaphore, #tpu.memory_space<semaphore_mem>>) src(%dma_wait3A_130 : memref<11024x64xf32, #tpu.memory_space<hbm>>) dst(%arg6 : memref<400x64xf32, #tpu.memory_space<vmem>>)
    %dma_wait3A_131 = arith.constant 1200 : i32
    %dma_wait3A_132 = tpu.memref_slice %arg4[%select_n3A_30, %dma_wait3A_131, %mul3A_119] : memref<16x10000x128xf32, #tpu.memory_space<hbm>> -> memref<1x400x64xf32, #tpu.memory_space<hbm>>
    %dma_wait3A_133 = tpu.memref_squeeze %dma_wait3A_132 : memref<1x400x64xf32, #tpu.memory_space<hbm>> -> memref<400x64xf32, #tpu.memory_space<hbm>>
    %dma_wait3A_134 = arith.constant 1200 : i32
    %dma_wait3A_135 = tpu.memref_slice %arg4[%select_n3A_30, %dma_wait3A_134, %mul3A_119] : memref<16x10000x128xf32, #tpu.memory_space<hbm>> -> memref<1x400x64xf32, #tpu.memory_space<hbm>>
    %dma_wait3A_136 = tpu.memref_squeeze %dma_wait3A_135 : memref<1x400x64xf32, #tpu.memory_space<hbm>> -> memref<400x64xf32, #tpu.memory_space<hbm>>
    tpu.wait_dma2 semaphore(%arg9 : memref<!tpu.dma_semaphore, #tpu.memory_space<semaphore_mem>>) src(%arg7 : memref<400x64xf32, #tpu.memory_space<vmem>>) dst(%dma_wait3A_136 : memref<400x64xf32, #tpu.memory_space<hbm>>)
    %dma_start3A_137 = arith.constant 2000 : i32
    %dma_start3A_138 = tpu.memref_slice %arg5[%dma_start3A_137] : memref<10000xi32, #tpu.memory_space<vmem>> -> memref<400xi32, #tpu.memory_space<vmem>>
    %dma_start3A_139 = arith.constant 0 : i32
    %dma_start3A_140 = arith.constant 0 : i32
    %dma_start3A_141 = tpu.memref_slice %arg2[%dma_start3A_139, %dma_start3A_140] : memref<11024x64xf32, #tpu.memory_space<hbm>> -> memref<11024x64xf32, #tpu.memory_space<hbm>>
    tpu.enqueue_indirect_dma source(%dma_start3A_141 : memref<11024x64xf32, #tpu.memory_space<hbm>>) target(%arg7 : memref<400x64xf32, #tpu.memory_space<vmem>>) offsets(%dma_start3A_138 : memref<400xi32, #tpu.memory_space<vmem>>) semaphore(%arg8 : memref<!tpu.dma_semaphore, #tpu.memory_space<semaphore_mem>>)
    %mul3A_142 = arith.constant 64 : i32
    %mul3A_143 = arith.muli %select_n3A, %mul3A_142 : i32
    %dma_start3A_144 = arith.constant 1600 : i32
    %dma_start3A_145 = tpu.memref_slice %arg4[%select_n3A_30, %dma_start3A_144, %mul3A_143] : memref<16x10000x128xf32, #tpu.memory_space<hbm>> -> memref<1x400x64xf32, #tpu.memory_space<hbm>>
    %dma_start3A_146 = tpu.memref_squeeze %dma_start3A_145 : memref<1x400x64xf32, #tpu.memory_space<hbm>> -> memref<400x64xf32, #tpu.memory_space<hbm>>
    %dma_start3A_147 = arith.constant 1600 : i32
    %dma_start3A_148 = tpu.memref_slice %arg4[%select_n3A_30, %dma_start3A_147, %mul3A_143] : memref<16x10000x128xf32, #tpu.memory_space<hbm>> -> memref<1x400x64xf32, #tpu.memory_space<hbm>>
    %dma_start3A_149 = tpu.memref_squeeze %dma_start3A_148 : memref<1x400x64xf32, #tpu.memory_space<hbm>> -> memref<400x64xf32, #tpu.memory_space<hbm>>
    tpu.enqueue_dma source(%arg6 : memref<400x64xf32, #tpu.memory_space<vmem>>) target(%dma_start3A_149 : memref<400x64xf32, #tpu.memory_space<hbm>>) target_semaphore(%arg9 : memref<!tpu.dma_semaphore, #tpu.memory_space<semaphore_mem>>)
    %dma_wait3A_150 = arith.constant 2000 : i32
    %dma_wait3A_151 = tpu.memref_slice %arg5[%dma_wait3A_150] : memref<10000xi32, #tpu.memory_space<vmem>> -> memref<400xi32, #tpu.memory_space<vmem>>
    %dma_wait3A_152 = arith.constant 0 : i32
    %dma_wait3A_153 = arith.constant 0 : i32
    %dma_wait3A_154 = tpu.memref_slice %arg2[%dma_wait3A_152, %dma_wait3A_153] : memref<11024x64xf32, #tpu.memory_space<hbm>> -> memref<11024x64xf32, #tpu.memory_space<hbm>>
    tpu.wait_indirect_dma semaphore(%arg8 : memref<!tpu.dma_semaphore, #tpu.memory_space<semaphore_mem>>) src(%dma_wait3A_154 : memref<11024x64xf32, #tpu.memory_space<hbm>>) dst(%arg7 : memref<400x64xf32, #tpu.memory_space<vmem>>)
    %dma_wait3A_155 = arith.constant 1600 : i32
    %dma_wait3A_156 = tpu.memref_slice %arg4[%select_n3A_30, %dma_wait3A_155, %mul3A_143] : memref<16x10000x128xf32, #tpu.memory_space<hbm>> -> memref<1x400x64xf32, #tpu.memory_space<hbm>>
    %dma_wait3A_157 = tpu.memref_squeeze %dma_wait3A_156 : memref<1x400x64xf32, #tpu.memory_space<hbm>> -> memref<400x64xf32, #tpu.memory_space<hbm>>
    %dma_wait3A_158 = arith.constant 1600 : i32
    %dma_wait3A_159 = tpu.memref_slice %arg4[%select_n3A_30, %dma_wait3A_158, %mul3A_143] : memref<16x10000x128xf32, #tpu.memory_space<hbm>> -> memref<1x400x64xf32, #tpu.memory_space<hbm>>
    %dma_wait3A_160 = tpu.memref_squeeze %dma_wait3A_159 : memref<1x400x64xf32, #tpu.memory_space<hbm>> -> memref<400x64xf32, #tpu.memory_space<hbm>>
    tpu.wait_dma2 semaphore(%arg9 : memref<!tpu.dma_semaphore, #tpu.memory_space<semaphore_mem>>) src(%arg6 : memref<400x64xf32, #tpu.memory_space<vmem>>) dst(%dma_wait3A_160 : memref<400x64xf32, #tpu.memory_space<hbm>>)
    %dma_start3A_161 = arith.constant 2400 : i32
    %dma_start3A_162 = tpu.memref_slice %arg5[%dma_start3A_161] : memref<10000xi32, #tpu.memory_space<vmem>> -> memref<400xi32, #tpu.memory_space<vmem>>
    %dma_start3A_163 = arith.constant 0 : i32
    %dma_start3A_164 = arith.constant 0 : i32
    %dma_start3A_165 = tpu.memref_slice %arg2[%dma_start3A_163, %dma_start3A_164] : memref<11024x64xf32, #tpu.memory_space<hbm>> -> memref<11024x64xf32, #tpu.memory_space<hbm>>
    tpu.enqueue_indirect_dma source(%dma_start3A_165 : memref<11024x64xf32, #tpu.memory_space<hbm>>) target(%arg6 : memref<400x64xf32, #tpu.memory_space<vmem>>) offsets(%dma_start3A_162 : memref<400xi32, #tpu.memory_space<vmem>>) semaphore(%arg8 : memref<!tpu.dma_semaphore, #tpu.memory_space<semaphore_mem>>)
    %mul3A_166 = arith.constant 64 : i32
    %mul3A_167 = arith.muli %select_n3A, %mul3A_166 : i32
    %dma_start3A_168 = arith.constant 2000 : i32
    %dma_start3A_169 = tpu.memref_slice %arg4[%select_n3A_30, %dma_start3A_168, %mul3A_167] : memref<16x10000x128xf32, #tpu.memory_space<hbm>> -> memref<1x400x64xf32, #tpu.memory_space<hbm>>
    %dma_start3A_170 = tpu.memref_squeeze %dma_start3A_169 : memref<1x400x64xf32, #tpu.memory_space<hbm>> -> memref<400x64xf32, #tpu.memory_space<hbm>>
    %dma_start3A_171 = arith.constant 2000 : i32
    %dma_start3A_172 = tpu.memref_slice %arg4[%select_n3A_30, %dma_start3A_171, %mul3A_167] : memref<16x10000x128xf32, #tpu.memory_space<hbm>> -> memref<1x400x64xf32, #tpu.memory_space<hbm>>
    %dma_start3A_173 = tpu.memref_squeeze %dma_start3A_172 : memref<1x400x64xf32, #tpu.memory_space<hbm>> -> memref<400x64xf32, #tpu.memory_space<hbm>>
    tpu.enqueue_dma source(%arg7 : memref<400x64xf32, #tpu.memory_space<vmem>>) target(%dma_start3A_173 : memref<400x64xf32, #tpu.memory_space<hbm>>) target_semaphore(%arg9 : memref<!tpu.dma_semaphore, #tpu.memory_space<semaphore_mem>>)
    %dma_wait3A_174 = arith.constant 2400 : i32
    %dma_wait3A_175 = tpu.memref_slice %arg5[%dma_wait3A_174] : memref<10000xi32, #tpu.memory_space<vmem>> -> memref<400xi32, #tpu.memory_space<vmem>>
    %dma_wait3A_176 = arith.constant 0 : i32
    %dma_wait3A_177 = arith.constant 0 : i32
    %dma_wait3A_178 = tpu.memref_slice %arg2[%dma_wait3A_176, %dma_wait3A_177] : memref<11024x64xf32, #tpu.memory_space<hbm>> -> memref<11024x64xf32, #tpu.memory_space<hbm>>
    tpu.wait_indirect_dma semaphore(%arg8 : memref<!tpu.dma_semaphore, #tpu.memory_space<semaphore_mem>>) src(%dma_wait3A_178 : memref<11024x64xf32, #tpu.memory_space<hbm>>) dst(%arg6 : memref<400x64xf32, #tpu.memory_space<vmem>>)
    %dma_wait3A_179 = arith.constant 2000 : i32
    %dma_wait3A_180 = tpu.memref_slice %arg4[%select_n3A_30, %dma_wait3A_179, %mul3A_167] : memref<16x10000x128xf32, #tpu.memory_space<hbm>> -> memref<1x400x64xf32, #tpu.memory_space<hbm>>
    %dma_wait3A_181 = tpu.memref_squeeze %dma_wait3A_180 : memref<1x400x64xf32, #tpu.memory_space<hbm>> -> memref<400x64xf32, #tpu.memory_space<hbm>>
    %dma_wait3A_182 = arith.constant 2000 : i32
    %dma_wait3A_183 = tpu.memref_slice %arg4[%select_n3A_30, %dma_wait3A_182, %mul3A_167] : memref<16x10000x128xf32, #tpu.memory_space<hbm>> -> memref<1x400x64xf32, #tpu.memory_space<hbm>>
    %dma_wait3A_184 = tpu.memref_squeeze %dma_wait3A_183 : memref<1x400x64xf32, #tpu.memory_space<hbm>> -> memref<400x64xf32, #tpu.memory_space<hbm>>
    tpu.wait_dma2 semaphore(%arg9 : memref<!tpu.dma_semaphore, #tpu.memory_space<semaphore_mem>>) src(%arg7 : memref<400x64xf32, #tpu.memory_space<vmem>>) dst(%dma_wait3A_184 : memref<400x64xf32, #tpu.memory_space<hbm>>)
    %dma_start3A_185 = arith.constant 2800 : i32
    %dma_start3A_186 = tpu.memref_slice %arg5[%dma_start3A_185] : memref<10000xi32, #tpu.memory_space<vmem>> -> memref<400xi32, #tpu.memory_space<vmem>>
    %dma_start3A_187 = arith.constant 0 : i32
    %dma_start3A_188 = arith.constant 0 : i32
    %dma_start3A_189 = tpu.memref_slice %arg2[%dma_start3A_187, %dma_start3A_188] : memref<11024x64xf32, #tpu.memory_space<hbm>> -> memref<11024x64xf32, #tpu.memory_space<hbm>>
    tpu.enqueue_indirect_dma source(%dma_start3A_189 : memref<11024x64xf32, #tpu.memory_space<hbm>>) target(%arg7 : memref<400x64xf32, #tpu.memory_space<vmem>>) offsets(%dma_start3A_186 : memref<400xi32, #tpu.memory_space<vmem>>) semaphore(%arg8 : memref<!tpu.dma_semaphore, #tpu.memory_space<semaphore_mem>>)
    %mul3A_190 = arith.constant 64 : i32
    %mul3A_191 = arith.muli %select_n3A, %mul3A_190 : i32
    %dma_start3A_192 = arith.constant 2400 : i32
    %dma_start3A_193 = tpu.memref_slice %arg4[%select_n3A_30, %dma_start3A_192, %mul3A_191] : memref<16x10000x128xf32, #tpu.memory_space<hbm>> -> memref<1x400x64xf32, #tpu.memory_space<hbm>>
    %dma_start3A_194 = tpu.memref_squeeze %dma_start3A_193 : memref<1x400x64xf32, #tpu.memory_space<hbm>> -> memref<400x64xf32, #tpu.memory_space<hbm>>
    %dma_start3A_195 = arith.constant 2400 : i32
    %dma_start3A_196 = tpu.memref_slice %arg4[%select_n3A_30, %dma_start3A_195, %mul3A_191] : memref<16x10000x128xf32, #tpu.memory_space<hbm>> -> memref<1x400x64xf32, #tpu.memory_space<hbm>>
    %dma_start3A_197 = tpu.memref_squeeze %dma_start3A_196 : memref<1x400x64xf32, #tpu.memory_space<hbm>> -> memref<400x64xf32, #tpu.memory_space<hbm>>
    tpu.enqueue_dma source(%arg6 : memref<400x64xf32, #tpu.memory_space<vmem>>) target(%dma_start3A_197 : memref<400x64xf32, #tpu.memory_space<hbm>>) target_semaphore(%arg9 : memref<!tpu.dma_semaphore, #tpu.memory_space<semaphore_mem>>)
    %dma_wait3A_198 = arith.constant 2800 : i32
    %dma_wait3A_199 = tpu.memref_slice %arg5[%dma_wait3A_198] : memref<10000xi32, #tpu.memory_space<vmem>> -> memref<400xi32, #tpu.memory_space<vmem>>
    %dma_wait3A_200 = arith.constant 0 : i32
    %dma_wait3A_201 = arith.constant 0 : i32
    %dma_wait3A_202 = tpu.memref_slice %arg2[%dma_wait3A_200, %dma_wait3A_201] : memref<11024x64xf32, #tpu.memory_space<hbm>> -> memref<11024x64xf32, #tpu.memory_space<hbm>>
    tpu.wait_indirect_dma semaphore(%arg8 : memref<!tpu.dma_semaphore, #tpu.memory_space<semaphore_mem>>) src(%dma_wait3A_202 : memref<11024x64xf32, #tpu.memory_space<hbm>>) dst(%arg7 : memref<400x64xf32, #tpu.memory_space<vmem>>)
    %dma_wait3A_203 = arith.constant 2400 : i32
    %dma_wait3A_204 = tpu.memref_slice %arg4[%select_n3A_30, %dma_wait3A_203, %mul3A_191] : memref<16x10000x128xf32, #tpu.memory_space<hbm>> -> memref<1x400x64xf32, #tpu.memory_space<hbm>>
    %dma_wait3A_205 = tpu.memref_squeeze %dma_wait3A_204 : memref<1x400x64xf32, #tpu.memory_space<hbm>> -> memref<400x64xf32, #tpu.memory_space<hbm>>
    %dma_wait3A_206 = arith.constant 2400 : i32
    %dma_wait3A_207 = tpu.memref_slice %arg4[%select_n3A_30, %dma_wait3A_206, %mul3A_191] : memref<16x10000x128xf32, #tpu.memory_space<hbm>> -> memref<1x400x64xf32, #tpu.memory_space<hbm>>
    %dma_wait3A_208 = tpu.memref_squeeze %dma_wait3A_207 : memref<1x400x64xf32, #tpu.memory_space<hbm>> -> memref<400x64xf32, #tpu.memory_space<hbm>>
    tpu.wait_dma2 semaphore(%arg9 : memref<!tpu.dma_semaphore, #tpu.memory_space<semaphore_mem>>) src(%arg6 : memref<400x64xf32, #tpu.memory_space<vmem>>) dst(%dma_wait3A_208 : memref<400x64xf32, #tpu.memory_space<hbm>>)
    %dma_start3A_209 = arith.constant 3200 : i32
    %dma_start3A_210 = tpu.memref_slice %arg5[%dma_start3A_209] : memref<10000xi32, #tpu.memory_space<vmem>> -> memref<400xi32, #tpu.memory_space<vmem>>
    %dma_start3A_211 = arith.constant 0 : i32
    %dma_start3A_212 = arith.constant 0 : i32
    %dma_start3A_213 = tpu.memref_slice %arg2[%dma_start3A_211, %dma_start3A_212] : memref<11024x64xf32, #tpu.memory_space<hbm>> -> memref<11024x64xf32, #tpu.memory_space<hbm>>
    tpu.enqueue_indirect_dma source(%dma_start3A_213 : memref<11024x64xf32, #tpu.memory_space<hbm>>) target(%arg6 : memref<400x64xf32, #tpu.memory_space<vmem>>) offsets(%dma_start3A_210 : memref<400xi32, #tpu.memory_space<vmem>>) semaphore(%arg8 : memref<!tpu.dma_semaphore, #tpu.memory_space<semaphore_mem>>)
    %mul3A_214 = arith.constant 64 : i32
    %mul3A_215 = arith.muli %select_n3A, %mul3A_214 : i32
    %dma_start3A_216 = arith.constant 2800 : i32
    %dma_start3A_217 = tpu.memref_slice %arg4[%select_n3A_30, %dma_start3A_216, %mul3A_215] : memref<16x10000x128xf32, #tpu.memory_space<hbm>> -> memref<1x400x64xf32, #tpu.memory_space<hbm>>
    %dma_start3A_218 = tpu.memref_squeeze %dma_start3A_217 : memref<1x400x64xf32, #tpu.memory_space<hbm>> -> memref<400x64xf32, #tpu.memory_space<hbm>>
    %dma_start3A_219 = arith.constant 2800 : i32
    %dma_start3A_220 = tpu.memref_slice %arg4[%select_n3A_30, %dma_start3A_219, %mul3A_215] : memref<16x10000x128xf32, #tpu.memory_space<hbm>> -> memref<1x400x64xf32, #tpu.memory_space<hbm>>
    %dma_start3A_221 = tpu.memref_squeeze %dma_start3A_220 : memref<1x400x64xf32, #tpu.memory_space<hbm>> -> memref<400x64xf32, #tpu.memory_space<hbm>>
    tpu.enqueue_dma source(%arg7 : memref<400x64xf32, #tpu.memory_space<vmem>>) target(%dma_start3A_221 : memref<400x64xf32, #tpu.memory_space<hbm>>) target_semaphore(%arg9 : memref<!tpu.dma_semaphore, #tpu.memory_space<semaphore_mem>>)
    %dma_wait3A_222 = arith.constant 3200 : i32
    %dma_wait3A_223 = tpu.memref_slice %arg5[%dma_wait3A_222] : memref<10000xi32, #tpu.memory_space<vmem>> -> memref<400xi32, #tpu.memory_space<vmem>>
    %dma_wait3A_224 = arith.constant 0 : i32
    %dma_wait3A_225 = arith.constant 0 : i32
    %dma_wait3A_226 = tpu.memref_slice %arg2[%dma_wait3A_224, %dma_wait3A_225] : memref<11024x64xf32, #tpu.memory_space<hbm>> -> memref<11024x64xf32, #tpu.memory_space<hbm>>
    tpu.wait_indirect_dma semaphore(%arg8 : memref<!tpu.dma_semaphore, #tpu.memory_space<semaphore_mem>>) src(%dma_wait3A_226 : memref<11024x64xf32, #tpu.memory_space<hbm>>) dst(%arg6 : memref<400x64xf32, #tpu.memory_space<vmem>>)
    %dma_wait3A_227 = arith.constant 2800 : i32
    %dma_wait3A_228 = tpu.memref_slice %arg4[%select_n3A_30, %dma_wait3A_227, %mul3A_215] : memref<16x10000x128xf32, #tpu.memory_space<hbm>> -> memref<1x400x64xf32, #tpu.memory_space<hbm>>
    %dma_wait3A_229 = tpu.memref_squeeze %dma_wait3A_228 : memref<1x400x64xf32, #tpu.memory_space<hbm>> -> memref<400x64xf32, #tpu.memory_space<hbm>>
    %dma_wait3A_230 = arith.constant 2800 : i32
    %dma_wait3A_231 = tpu.memref_slice %arg4[%select_n3A_30, %dma_wait3A_230, %mul3A_215] : memref<16x10000x128xf32, #tpu.memory_space<hbm>> -> memref<1x400x64xf32, #tpu.memory_space<hbm>>
    %dma_wait3A_232 = tpu.memref_squeeze %dma_wait3A_231 : memref<1x400x64xf32, #tpu.memory_space<hbm>> -> memref<400x64xf32, #tpu.memory_space<hbm>>
    tpu.wait_dma2 semaphore(%arg9 : memref<!tpu.dma_semaphore, #tpu.memory_space<semaphore_mem>>) src(%arg7 : memref<400x64xf32, #tpu.memory_space<vmem>>) dst(%dma_wait3A_232 : memref<400x64xf32, #tpu.memory_space<hbm>>)
    %dma_start3A_233 = arith.constant 3600 : i32
    %dma_start3A_234 = tpu.memref_slice %arg5[%dma_start3A_233] : memref<10000xi32, #tpu.memory_space<vmem>> -> memref<400xi32, #tpu.memory_space<vmem>>
    %dma_start3A_235 = arith.constant 0 : i32
    %dma_start3A_236 = arith.constant 0 : i32
    %dma_start3A_237 = tpu.memref_slice %arg2[%dma_start3A_235, %dma_start3A_236] : memref<11024x64xf32, #tpu.memory_space<hbm>> -> memref<11024x64xf32, #tpu.memory_space<hbm>>
    tpu.enqueue_indirect_dma source(%dma_start3A_237 : memref<11024x64xf32, #tpu.memory_space<hbm>>) target(%arg7 : memref<400x64xf32, #tpu.memory_space<vmem>>) offsets(%dma_start3A_234 : memref<400xi32, #tpu.memory_space<vmem>>) semaphore(%arg8 : memref<!tpu.dma_semaphore, #tpu.memory_space<semaphore_mem>>)
    %mul3A_238 = arith.constant 64 : i32
    %mul3A_239 = arith.muli %select_n3A, %mul3A_238 : i32
    %dma_start3A_240 = arith.constant 3200 : i32
    %dma_start3A_241 = tpu.memref_slice %arg4[%select_n3A_30, %dma_start3A_240, %mul3A_239] : memref<16x10000x128xf32, #tpu.memory_space<hbm>> -> memref<1x400x64xf32, #tpu.memory_space<hbm>>
    %dma_start3A_242 = tpu.memref_squeeze %dma_start3A_241 : memref<1x400x64xf32, #tpu.memory_space<hbm>> -> memref<400x64xf32, #tpu.memory_space<hbm>>
    %dma_start3A_243 = arith.constant 3200 : i32
    %dma_start3A_244 = tpu.memref_slice %arg4[%select_n3A_30, %dma_start3A_243, %mul3A_239] : memref<16x10000x128xf32, #tpu.memory_space<hbm>> -> memref<1x400x64xf32, #tpu.memory_space<hbm>>
    %dma_start3A_245 = tpu.memref_squeeze %dma_start3A_244 : memref<1x400x64xf32, #tpu.memory_space<hbm>> -> memref<400x64xf32, #tpu.memory_space<hbm>>
    tpu.enqueue_dma source(%arg6 : memref<400x64xf32, #tpu.memory_space<vmem>>) target(%dma_start3A_245 : memref<400x64xf32, #tpu.memory_space<hbm>>) target_semaphore(%arg9 : memref<!tpu.dma_semaphore, #tpu.memory_space<semaphore_mem>>)
    %dma_wait3A_246 = arith.constant 3600 : i32
    %dma_wait3A_247 = tpu.memref_slice %arg5[%dma_wait3A_246] : memref<10000xi32, #tpu.memory_space<vmem>> -> memref<400xi32, #tpu.memory_space<vmem>>
    %dma_wait3A_248 = arith.constant 0 : i32
    %dma_wait3A_249 = arith.constant 0 : i32
    %dma_wait3A_250 = tpu.memref_slice %arg2[%dma_wait3A_248, %dma_wait3A_249] : memref<11024x64xf32, #tpu.memory_space<hbm>> -> memref<11024x64xf32, #tpu.memory_space<hbm>>
    tpu.wait_indirect_dma semaphore(%arg8 : memref<!tpu.dma_semaphore, #tpu.memory_space<semaphore_mem>>) src(%dma_wait3A_250 : memref<11024x64xf32, #tpu.memory_space<hbm>>) dst(%arg7 : memref<400x64xf32, #tpu.memory_space<vmem>>)
    %dma_wait3A_251 = arith.constant 3200 : i32
    %dma_wait3A_252 = tpu.memref_slice %arg4[%select_n3A_30, %dma_wait3A_251, %mul3A_239] : memref<16x10000x128xf32, #tpu.memory_space<hbm>> -> memref<1x400x64xf32, #tpu.memory_space<hbm>>
    %dma_wait3A_253 = tpu.memref_squeeze %dma_wait3A_252 : memref<1x400x64xf32, #tpu.memory_space<hbm>> -> memref<400x64xf32, #tpu.memory_space<hbm>>
    %dma_wait3A_254 = arith.constant 3200 : i32
    %dma_wait3A_255 = tpu.memref_slice %arg4[%select_n3A_30, %dma_wait3A_254, %mul3A_239] : memref<16x10000x128xf32, #tpu.memory_space<hbm>> -> memref<1x400x64xf32, #tpu.memory_space<hbm>>
    %dma_wait3A_256 = tpu.memref_squeeze %dma_wait3A_255 : memref<1x400x64xf32, #tpu.memory_space<hbm>> -> memref<400x64xf32, #tpu.memory_space<hbm>>
    tpu.wait_dma2 semaphore(%arg9 : memref<!tpu.dma_semaphore, #tpu.memory_space<semaphore_mem>>) src(%arg6 : memref<400x64xf32, #tpu.memory_space<vmem>>) dst(%dma_wait3A_256 : memref<400x64xf32, #tpu.memory_space<hbm>>)
    %dma_start3A_257 = arith.constant 4000 : i32
    %dma_start3A_258 = tpu.memref_slice %arg5[%dma_start3A_257] : memref<10000xi32, #tpu.memory_space<vmem>> -> memref<400xi32, #tpu.memory_space<vmem>>
    %dma_start3A_259 = arith.constant 0 : i32
    %dma_start3A_260 = arith.constant 0 : i32
    %dma_start3A_261 = tpu.memref_slice %arg2[%dma_start3A_259, %dma_start3A_260] : memref<11024x64xf32, #tpu.memory_space<hbm>> -> memref<11024x64xf32, #tpu.memory_space<hbm>>
    tpu.enqueue_indirect_dma source(%dma_start3A_261 : memref<11024x64xf32, #tpu.memory_space<hbm>>) target(%arg6 : memref<400x64xf32, #tpu.memory_space<vmem>>) offsets(%dma_start3A_258 : memref<400xi32, #tpu.memory_space<vmem>>) semaphore(%arg8 : memref<!tpu.dma_semaphore, #tpu.memory_space<semaphore_mem>>)
    %mul3A_262 = arith.constant 64 : i32
    %mul3A_263 = arith.muli %select_n3A, %mul3A_262 : i32
    %dma_start3A_264 = arith.constant 3600 : i32
    %dma_start3A_265 = tpu.memref_slice %arg4[%select_n3A_30, %dma_start3A_264, %mul3A_263] : memref<16x10000x128xf32, #tpu.memory_space<hbm>> -> memref<1x400x64xf32, #tpu.memory_space<hbm>>
    %dma_start3A_266 = tpu.memref_squeeze %dma_start3A_265 : memref<1x400x64xf32, #tpu.memory_space<hbm>> -> memref<400x64xf32, #tpu.memory_space<hbm>>
    %dma_start3A_267 = arith.constant 3600 : i32
    %dma_start3A_268 = tpu.memref_slice %arg4[%select_n3A_30, %dma_start3A_267, %mul3A_263] : memref<16x10000x128xf32, #tpu.memory_space<hbm>> -> memref<1x400x64xf32, #tpu.memory_space<hbm>>
    %dma_start3A_269 = tpu.memref_squeeze %dma_start3A_268 : memref<1x400x64xf32, #tpu.memory_space<hbm>> -> memref<400x64xf32, #tpu.memory_space<hbm>>
    tpu.enqueue_dma source(%arg7 : memref<400x64xf32, #tpu.memory_space<vmem>>) target(%dma_start3A_269 : memref<400x64xf32, #tpu.memory_space<hbm>>) target_semaphore(%arg9 : memref<!tpu.dma_semaphore, #tpu.memory_space<semaphore_mem>>)
    %dma_wait3A_270 = arith.constant 4000 : i32
    %dma_wait3A_271 = tpu.memref_slice %arg5[%dma_wait3A_270] : memref<10000xi32, #tpu.memory_space<vmem>> -> memref<400xi32, #tpu.memory_space<vmem>>
    %dma_wait3A_272 = arith.constant 0 : i32
    %dma_wait3A_273 = arith.constant 0 : i32
    %dma_wait3A_274 = tpu.memref_slice %arg2[%dma_wait3A_272, %dma_wait3A_273] : memref<11024x64xf32, #tpu.memory_space<hbm>> -> memref<11024x64xf32, #tpu.memory_space<hbm>>
    tpu.wait_indirect_dma semaphore(%arg8 : memref<!tpu.dma_semaphore, #tpu.memory_space<semaphore_mem>>) src(%dma_wait3A_274 : memref<11024x64xf32, #tpu.memory_space<hbm>>) dst(%arg6 : memref<400x64xf32, #tpu.memory_space<vmem>>)
    %dma_wait3A_275 = arith.constant 3600 : i32
    %dma_wait3A_276 = tpu.memref_slice %arg4[%select_n3A_30, %dma_wait3A_275, %mul3A_263] : memref<16x10000x128xf32, #tpu.memory_space<hbm>> -> memref<1x400x64xf32, #tpu.memory_space<hbm>>
    %dma_wait3A_277 = tpu.memref_squeeze %dma_wait3A_276 : memref<1x400x64xf32, #tpu.memory_space<hbm>> -> memref<400x64xf32, #tpu.memory_space<hbm>>
    %dma_wait3A_278 = arith.constant 3600 : i32
    %dma_wait3A_279 = tpu.memref_slice %arg4[%select_n3A_30, %dma_wait3A_278, %mul3A_263] : memref<16x10000x128xf32, #tpu.memory_space<hbm>> -> memref<1x400x64xf32, #tpu.memory_space<hbm>>
    %dma_wait3A_280 = tpu.memref_squeeze %dma_wait3A_279 : memref<1x400x64xf32, #tpu.memory_space<hbm>> -> memref<400x64xf32, #tpu.memory_space<hbm>>
    tpu.wait_dma2 semaphore(%arg9 : memref<!tpu.dma_semaphore, #tpu.memory_space<semaphore_mem>>) src(%arg7 : memref<400x64xf32, #tpu.memory_space<vmem>>) dst(%dma_wait3A_280 : memref<400x64xf32, #tpu.memory_space<hbm>>)
    %dma_start3A_281 = arith.constant 4400 : i32
    %dma_start3A_282 = tpu.memref_slice %arg5[%dma_start3A_281] : memref<10000xi32, #tpu.memory_space<vmem>> -> memref<400xi32, #tpu.memory_space<vmem>>
    %dma_start3A_283 = arith.constant 0 : i32
    %dma_start3A_284 = arith.constant 0 : i32
    %dma_start3A_285 = tpu.memref_slice %arg2[%dma_start3A_283, %dma_start3A_284] : memref<11024x64xf32, #tpu.memory_space<hbm>> -> memref<11024x64xf32, #tpu.memory_space<hbm>>
    tpu.enqueue_indirect_dma source(%dma_start3A_285 : memref<11024x64xf32, #tpu.memory_space<hbm>>) target(%arg7 : memref<400x64xf32, #tpu.memory_space<vmem>>) offsets(%dma_start3A_282 : memref<400xi32, #tpu.memory_space<vmem>>) semaphore(%arg8 : memref<!tpu.dma_semaphore, #tpu.memory_space<semaphore_mem>>)
    %mul3A_286 = arith.constant 64 : i32
    %mul3A_287 = arith.muli %select_n3A, %mul3A_286 : i32
    %dma_start3A_288 = arith.constant 4000 : i32
    %dma_start3A_289 = tpu.memref_slice %arg4[%select_n3A_30, %dma_start3A_288, %mul3A_287] : memref<16x10000x128xf32, #tpu.memory_space<hbm>> -> memref<1x400x64xf32, #tpu.memory_space<hbm>>
    %dma_start3A_290 = tpu.memref_squeeze %dma_start3A_289 : memref<1x400x64xf32, #tpu.memory_space<hbm>> -> memref<400x64xf32, #tpu.memory_space<hbm>>
    %dma_start3A_291 = arith.constant 4000 : i32
    %dma_start3A_292 = tpu.memref_slice %arg4[%select_n3A_30, %dma_start3A_291, %mul3A_287] : memref<16x10000x128xf32, #tpu.memory_space<hbm>> -> memref<1x400x64xf32, #tpu.memory_space<hbm>>
    %dma_start3A_293 = tpu.memref_squeeze %dma_start3A_292 : memref<1x400x64xf32, #tpu.memory_space<hbm>> -> memref<400x64xf32, #tpu.memory_space<hbm>>
    tpu.enqueue_dma source(%arg6 : memref<400x64xf32, #tpu.memory_space<vmem>>) target(%dma_start3A_293 : memref<400x64xf32, #tpu.memory_space<hbm>>) target_semaphore(%arg9 : memref<!tpu.dma_semaphore, #tpu.memory_space<semaphore_mem>>)
    %dma_wait3A_294 = arith.constant 4400 : i32
    %dma_wait3A_295 = tpu.memref_slice %arg5[%dma_wait3A_294] : memref<10000xi32, #tpu.memory_space<vmem>> -> memref<400xi32, #tpu.memory_space<vmem>>
    %dma_wait3A_296 = arith.constant 0 : i32
    %dma_wait3A_297 = arith.constant 0 : i32
    %dma_wait3A_298 = tpu.memref_slice %arg2[%dma_wait3A_296, %dma_wait3A_297] : memref<11024x64xf32, #tpu.memory_space<hbm>> -> memref<11024x64xf32, #tpu.memory_space<hbm>>
    tpu.wait_indirect_dma semaphore(%arg8 : memref<!tpu.dma_semaphore, #tpu.memory_space<semaphore_mem>>) src(%dma_wait3A_298 : memref<11024x64xf32, #tpu.memory_space<hbm>>) dst(%arg7 : memref<400x64xf32, #tpu.memory_space<vmem>>)
    %dma_wait3A_299 = arith.constant 4000 : i32
    %dma_wait3A_300 = tpu.memref_slice %arg4[%select_n3A_30, %dma_wait3A_299, %mul3A_287] : memref<16x10000x128xf32, #tpu.memory_space<hbm>> -> memref<1x400x64xf32, #tpu.memory_space<hbm>>
    %dma_wait3A_301 = tpu.memref_squeeze %dma_wait3A_300 : memref<1x400x64xf32, #tpu.memory_space<hbm>> -> memref<400x64xf32, #tpu.memory_space<hbm>>
    %dma_wait3A_302 = arith.constant 4000 : i32
    %dma_wait3A_303 = tpu.memref_slice %arg4[%select_n3A_30, %dma_wait3A_302, %mul3A_287] : memref<16x10000x128xf32, #tpu.memory_space<hbm>> -> memref<1x400x64xf32, #tpu.memory_space<hbm>>
    %dma_wait3A_304 = tpu.memref_squeeze %dma_wait3A_303 : memref<1x400x64xf32, #tpu.memory_space<hbm>> -> memref<400x64xf32, #tpu.memory_space<hbm>>
    tpu.wait_dma2 semaphore(%arg9 : memref<!tpu.dma_semaphore, #tpu.memory_space<semaphore_mem>>) src(%arg6 : memref<400x64xf32, #tpu.memory_space<vmem>>) dst(%dma_wait3A_304 : memref<400x64xf32, #tpu.memory_space<hbm>>)
    %dma_start3A_305 = arith.constant 4800 : i32
    %dma_start3A_306 = tpu.memref_slice %arg5[%dma_start3A_305] : memref<10000xi32, #tpu.memory_space<vmem>> -> memref<400xi32, #tpu.memory_space<vmem>>
    %dma_start3A_307 = arith.constant 0 : i32
    %dma_start3A_308 = arith.constant 0 : i32
    %dma_start3A_309 = tpu.memref_slice %arg2[%dma_start3A_307, %dma_start3A_308] : memref<11024x64xf32, #tpu.memory_space<hbm>> -> memref<11024x64xf32, #tpu.memory_space<hbm>>
    tpu.enqueue_indirect_dma source(%dma_start3A_309 : memref<11024x64xf32, #tpu.memory_space<hbm>>) target(%arg6 : memref<400x64xf32, #tpu.memory_space<vmem>>) offsets(%dma_start3A_306 : memref<400xi32, #tpu.memory_space<vmem>>) semaphore(%arg8 : memref<!tpu.dma_semaphore, #tpu.memory_space<semaphore_mem>>)
    %mul3A_310 = arith.constant 64 : i32
    %mul3A_311 = arith.muli %select_n3A, %mul3A_310 : i32
    %dma_start3A_312 = arith.constant 4400 : i32
    %dma_start3A_313 = tpu.memref_slice %arg4[%select_n3A_30, %dma_start3A_312, %mul3A_311] : memref<16x10000x128xf32, #tpu.memory_space<hbm>> -> memref<1x400x64xf32, #tpu.memory_space<hbm>>
    %dma_start3A_314 = tpu.memref_squeeze %dma_start3A_313 : memref<1x400x64xf32, #tpu.memory_space<hbm>> -> memref<400x64xf32, #tpu.memory_space<hbm>>
    %dma_start3A_315 = arith.constant 4400 : i32
    %dma_start3A_316 = tpu.memref_slice %arg4[%select_n3A_30, %dma_start3A_315, %mul3A_311] : memref<16x10000x128xf32, #tpu.memory_space<hbm>> -> memref<1x400x64xf32, #tpu.memory_space<hbm>>
    %dma_start3A_317 = tpu.memref_squeeze %dma_start3A_316 : memref<1x400x64xf32, #tpu.memory_space<hbm>> -> memref<400x64xf32, #tpu.memory_space<hbm>>
    tpu.enqueue_dma source(%arg7 : memref<400x64xf32, #tpu.memory_space<vmem>>) target(%dma_start3A_317 : memref<400x64xf32, #tpu.memory_space<hbm>>) target_semaphore(%arg9 : memref<!tpu.dma_semaphore, #tpu.memory_space<semaphore_mem>>)
    %dma_wait3A_318 = arith.constant 4800 : i32
    %dma_wait3A_319 = tpu.memref_slice %arg5[%dma_wait3A_318] : memref<10000xi32, #tpu.memory_space<vmem>> -> memref<400xi32, #tpu.memory_space<vmem>>
    %dma_wait3A_320 = arith.constant 0 : i32
    %dma_wait3A_321 = arith.constant 0 : i32
    %dma_wait3A_322 = tpu.memref_slice %arg2[%dma_wait3A_320, %dma_wait3A_321] : memref<11024x64xf32, #tpu.memory_space<hbm>> -> memref<11024x64xf32, #tpu.memory_space<hbm>>
    tpu.wait_indirect_dma semaphore(%arg8 : memref<!tpu.dma_semaphore, #tpu.memory_space<semaphore_mem>>) src(%dma_wait3A_322 : memref<11024x64xf32, #tpu.memory_space<hbm>>) dst(%arg6 : memref<400x64xf32, #tpu.memory_space<vmem>>)
    %dma_wait3A_323 = arith.constant 4400 : i32
    %dma_wait3A_324 = tpu.memref_slice %arg4[%select_n3A_30, %dma_wait3A_323, %mul3A_311] : memref<16x10000x128xf32, #tpu.memory_space<hbm>> -> memref<1x400x64xf32, #tpu.memory_space<hbm>>
    %dma_wait3A_325 = tpu.memref_squeeze %dma_wait3A_324 : memref<1x400x64xf32, #tpu.memory_space<hbm>> -> memref<400x64xf32, #tpu.memory_space<hbm>>
    %dma_wait3A_326 = arith.constant 4400 : i32
    %dma_wait3A_327 = tpu.memref_slice %arg4[%select_n3A_30, %dma_wait3A_326, %mul3A_311] : memref<16x10000x128xf32, #tpu.memory_space<hbm>> -> memref<1x400x64xf32, #tpu.memory_space<hbm>>
    %dma_wait3A_328 = tpu.memref_squeeze %dma_wait3A_327 : memref<1x400x64xf32, #tpu.memory_space<hbm>> -> memref<400x64xf32, #tpu.memory_space<hbm>>
    tpu.wait_dma2 semaphore(%arg9 : memref<!tpu.dma_semaphore, #tpu.memory_space<semaphore_mem>>) src(%arg7 : memref<400x64xf32, #tpu.memory_space<vmem>>) dst(%dma_wait3A_328 : memref<400x64xf32, #tpu.memory_space<hbm>>)
    %dma_start3A_329 = arith.constant 5200 : i32
    %dma_start3A_330 = tpu.memref_slice %arg5[%dma_start3A_329] : memref<10000xi32, #tpu.memory_space<vmem>> -> memref<400xi32, #tpu.memory_space<vmem>>
    %dma_start3A_331 = arith.constant 0 : i32
    %dma_start3A_332 = arith.constant 0 : i32
    %dma_start3A_333 = tpu.memref_slice %arg2[%dma_start3A_331, %dma_start3A_332] : memref<11024x64xf32, #tpu.memory_space<hbm>> -> memref<11024x64xf32, #tpu.memory_space<hbm>>
    tpu.enqueue_indirect_dma source(%dma_start3A_333 : memref<11024x64xf32, #tpu.memory_space<hbm>>) target(%arg7 : memref<400x64xf32, #tpu.memory_space<vmem>>) offsets(%dma_start3A_330 : memref<400xi32, #tpu.memory_space<vmem>>) semaphore(%arg8 : memref<!tpu.dma_semaphore, #tpu.memory_space<semaphore_mem>>)
    %mul3A_334 = arith.constant 64 : i32
    %mul3A_335 = arith.muli %select_n3A, %mul3A_334 : i32
    %dma_start3A_336 = arith.constant 4800 : i32
    %dma_start3A_337 = tpu.memref_slice %arg4[%select_n3A_30, %dma_start3A_336, %mul3A_335] : memref<16x10000x128xf32, #tpu.memory_space<hbm>> -> memref<1x400x64xf32, #tpu.memory_space<hbm>>
    %dma_start3A_338 = tpu.memref_squeeze %dma_start3A_337 : memref<1x400x64xf32, #tpu.memory_space<hbm>> -> memref<400x64xf32, #tpu.memory_space<hbm>>
    %dma_start3A_339 = arith.constant 4800 : i32
    %dma_start3A_340 = tpu.memref_slice %arg4[%select_n3A_30, %dma_start3A_339, %mul3A_335] : memref<16x10000x128xf32, #tpu.memory_space<hbm>> -> memref<1x400x64xf32, #tpu.memory_space<hbm>>
    %dma_start3A_341 = tpu.memref_squeeze %dma_start3A_340 : memref<1x400x64xf32, #tpu.memory_space<hbm>> -> memref<400x64xf32, #tpu.memory_space<hbm>>
    tpu.enqueue_dma source(%arg6 : memref<400x64xf32, #tpu.memory_space<vmem>>) target(%dma_start3A_341 : memref<400x64xf32, #tpu.memory_space<hbm>>) target_semaphore(%arg9 : memref<!tpu.dma_semaphore, #tpu.memory_space<semaphore_mem>>)
    %dma_wait3A_342 = arith.constant 5200 : i32
    %dma_wait3A_343 = tpu.memref_slice %arg5[%dma_wait3A_342] : memref<10000xi32, #tpu.memory_space<vmem>> -> memref<400xi32, #tpu.memory_space<vmem>>
    %dma_wait3A_344 = arith.constant 0 : i32
    %dma_wait3A_345 = arith.constant 0 : i32
    %dma_wait3A_346 = tpu.memref_slice %arg2[%dma_wait3A_344, %dma_wait3A_345] : memref<11024x64xf32, #tpu.memory_space<hbm>> -> memref<11024x64xf32, #tpu.memory_space<hbm>>
    tpu.wait_indirect_dma semaphore(%arg8 : memref<!tpu.dma_semaphore, #tpu.memory_space<semaphore_mem>>) src(%dma_wait3A_346 : memref<11024x64xf32, #tpu.memory_space<hbm>>) dst(%arg7 : memref<400x64xf32, #tpu.memory_space<vmem>>)
    %dma_wait3A_347 = arith.constant 4800 : i32
    %dma_wait3A_348 = tpu.memref_slice %arg4[%select_n3A_30, %dma_wait3A_347, %mul3A_335] : memref<16x10000x128xf32, #tpu.memory_space<hbm>> -> memref<1x400x64xf32, #tpu.memory_space<hbm>>
    %dma_wait3A_349 = tpu.memref_squeeze %dma_wait3A_348 : memref<1x400x64xf32, #tpu.memory_space<hbm>> -> memref<400x64xf32, #tpu.memory_space<hbm>>
    %dma_wait3A_350 = arith.constant 4800 : i32
    %dma_wait3A_351 = tpu.memref_slice %arg4[%select_n3A_30, %dma_wait3A_350, %mul3A_335] : memref<16x10000x128xf32, #tpu.memory_space<hbm>> -> memref<1x400x64xf32, #tpu.memory_space<hbm>>
    %dma_wait3A_352 = tpu.memref_squeeze %dma_wait3A_351 : memref<1x400x64xf32, #tpu.memory_space<hbm>> -> memref<400x64xf32, #tpu.memory_space<hbm>>
    tpu.wait_dma2 semaphore(%arg9 : memref<!tpu.dma_semaphore, #tpu.memory_space<semaphore_mem>>) src(%arg6 : memref<400x64xf32, #tpu.memory_space<vmem>>) dst(%dma_wait3A_352 : memref<400x64xf32, #tpu.memory_space<hbm>>)
    %dma_start3A_353 = arith.constant 5600 : i32
    %dma_start3A_354 = tpu.memref_slice %arg5[%dma_start3A_353] : memref<10000xi32, #tpu.memory_space<vmem>> -> memref<400xi32, #tpu.memory_space<vmem>>
    %dma_start3A_355 = arith.constant 0 : i32
    %dma_start3A_356 = arith.constant 0 : i32
    %dma_start3A_357 = tpu.memref_slice %arg2[%dma_start3A_355, %dma_start3A_356] : memref<11024x64xf32, #tpu.memory_space<hbm>> -> memref<11024x64xf32, #tpu.memory_space<hbm>>
    tpu.enqueue_indirect_dma source(%dma_start3A_357 : memref<11024x64xf32, #tpu.memory_space<hbm>>) target(%arg6 : memref<400x64xf32, #tpu.memory_space<vmem>>) offsets(%dma_start3A_354 : memref<400xi32, #tpu.memory_space<vmem>>) semaphore(%arg8 : memref<!tpu.dma_semaphore, #tpu.memory_space<semaphore_mem>>)
    %mul3A_358 = arith.constant 64 : i32
    %mul3A_359 = arith.muli %select_n3A, %mul3A_358 : i32
    %dma_start3A_360 = arith.constant 5200 : i32
    %dma_start3A_361 = tpu.memref_slice %arg4[%select_n3A_30, %dma_start3A_360, %mul3A_359] : memref<16x10000x128xf32, #tpu.memory_space<hbm>> -> memref<1x400x64xf32, #tpu.memory_space<hbm>>
    %dma_start3A_362 = tpu.memref_squeeze %dma_start3A_361 : memref<1x400x64xf32, #tpu.memory_space<hbm>> -> memref<400x64xf32, #tpu.memory_space<hbm>>
    %dma_start3A_363 = arith.constant 5200 : i32
    %dma_start3A_364 = tpu.memref_slice %arg4[%select_n3A_30, %dma_start3A_363, %mul3A_359] : memref<16x10000x128xf32, #tpu.memory_space<hbm>> -> memref<1x400x64xf32, #tpu.memory_space<hbm>>
    %dma_start3A_365 = tpu.memref_squeeze %dma_start3A_364 : memref<1x400x64xf32, #tpu.memory_space<hbm>> -> memref<400x64xf32, #tpu.memory_space<hbm>>
    tpu.enqueue_dma source(%arg7 : memref<400x64xf32, #tpu.memory_space<vmem>>) target(%dma_start3A_365 : memref<400x64xf32, #tpu.memory_space<hbm>>) target_semaphore(%arg9 : memref<!tpu.dma_semaphore, #tpu.memory_space<semaphore_mem>>)
    %dma_wait3A_366 = arith.constant 5600 : i32
    %dma_wait3A_367 = tpu.memref_slice %arg5[%dma_wait3A_366] : memref<10000xi32, #tpu.memory_space<vmem>> -> memref<400xi32, #tpu.memory_space<vmem>>
    %dma_wait3A_368 = arith.constant 0 : i32
    %dma_wait3A_369 = arith.constant 0 : i32
    %dma_wait3A_370 = tpu.memref_slice %arg2[%dma_wait3A_368, %dma_wait3A_369] : memref<11024x64xf32, #tpu.memory_space<hbm>> -> memref<11024x64xf32, #tpu.memory_space<hbm>>
    tpu.wait_indirect_dma semaphore(%arg8 : memref<!tpu.dma_semaphore, #tpu.memory_space<semaphore_mem>>) src(%dma_wait3A_370 : memref<11024x64xf32, #tpu.memory_space<hbm>>) dst(%arg6 : memref<400x64xf32, #tpu.memory_space<vmem>>)
    %dma_wait3A_371 = arith.constant 5200 : i32
    %dma_wait3A_372 = tpu.memref_slice %arg4[%select_n3A_30, %dma_wait3A_371, %mul3A_359] : memref<16x10000x128xf32, #tpu.memory_space<hbm>> -> memref<1x400x64xf32, #tpu.memory_space<hbm>>
    %dma_wait3A_373 = tpu.memref_squeeze %dma_wait3A_372 : memref<1x400x64xf32, #tpu.memory_space<hbm>> -> memref<400x64xf32, #tpu.memory_space<hbm>>
    %dma_wait3A_374 = arith.constant 5200 : i32
    %dma_wait3A_375 = tpu.memref_slice %arg4[%select_n3A_30, %dma_wait3A_374, %mul3A_359] : memref<16x10000x128xf32, #tpu.memory_space<hbm>> -> memref<1x400x64xf32, #tpu.memory_space<hbm>>
    %dma_wait3A_376 = tpu.memref_squeeze %dma_wait3A_375 : memref<1x400x64xf32, #tpu.memory_space<hbm>> -> memref<400x64xf32, #tpu.memory_space<hbm>>
    tpu.wait_dma2 semaphore(%arg9 : memref<!tpu.dma_semaphore, #tpu.memory_space<semaphore_mem>>) src(%arg7 : memref<400x64xf32, #tpu.memory_space<vmem>>) dst(%dma_wait3A_376 : memref<400x64xf32, #tpu.memory_space<hbm>>)
    %dma_start3A_377 = arith.constant 6000 : i32
    %dma_start3A_378 = tpu.memref_slice %arg5[%dma_start3A_377] : memref<10000xi32, #tpu.memory_space<vmem>> -> memref<400xi32, #tpu.memory_space<vmem>>
    %dma_start3A_379 = arith.constant 0 : i32
    %dma_start3A_380 = arith.constant 0 : i32
    %dma_start3A_381 = tpu.memref_slice %arg2[%dma_start3A_379, %dma_start3A_380] : memref<11024x64xf32, #tpu.memory_space<hbm>> -> memref<11024x64xf32, #tpu.memory_space<hbm>>
    tpu.enqueue_indirect_dma source(%dma_start3A_381 : memref<11024x64xf32, #tpu.memory_space<hbm>>) target(%arg7 : memref<400x64xf32, #tpu.memory_space<vmem>>) offsets(%dma_start3A_378 : memref<400xi32, #tpu.memory_space<vmem>>) semaphore(%arg8 : memref<!tpu.dma_semaphore, #tpu.memory_space<semaphore_mem>>)
    %mul3A_382 = arith.constant 64 : i32
    %mul3A_383 = arith.muli %select_n3A, %mul3A_382 : i32
    %dma_start3A_384 = arith.constant 5600 : i32
    %dma_start3A_385 = tpu.memref_slice %arg4[%select_n3A_30, %dma_start3A_384, %mul3A_383] : memref<16x10000x128xf32, #tpu.memory_space<hbm>> -> memref<1x400x64xf32, #tpu.memory_space<hbm>>
    %dma_start3A_386 = tpu.memref_squeeze %dma_start3A_385 : memref<1x400x64xf32, #tpu.memory_space<hbm>> -> memref<400x64xf32, #tpu.memory_space<hbm>>
    %dma_start3A_387 = arith.constant 5600 : i32
    %dma_start3A_388 = tpu.memref_slice %arg4[%select_n3A_30, %dma_start3A_387, %mul3A_383] : memref<16x10000x128xf32, #tpu.memory_space<hbm>> -> memref<1x400x64xf32, #tpu.memory_space<hbm>>
    %dma_start3A_389 = tpu.memref_squeeze %dma_start3A_388 : memref<1x400x64xf32, #tpu.memory_space<hbm>> -> memref<400x64xf32, #tpu.memory_space<hbm>>
    tpu.enqueue_dma source(%arg6 : memref<400x64xf32, #tpu.memory_space<vmem>>) target(%dma_start3A_389 : memref<400x64xf32, #tpu.memory_space<hbm>>) target_semaphore(%arg9 : memref<!tpu.dma_semaphore, #tpu.memory_space<semaphore_mem>>)
    %dma_wait3A_390 = arith.constant 6000 : i32
    %dma_wait3A_391 = tpu.memref_slice %arg5[%dma_wait3A_390] : memref<10000xi32, #tpu.memory_space<vmem>> -> memref<400xi32, #tpu.memory_space<vmem>>
    %dma_wait3A_392 = arith.constant 0 : i32
    %dma_wait3A_393 = arith.constant 0 : i32
    %dma_wait3A_394 = tpu.memref_slice %arg2[%dma_wait3A_392, %dma_wait3A_393] : memref<11024x64xf32, #tpu.memory_space<hbm>> -> memref<11024x64xf32, #tpu.memory_space<hbm>>
    tpu.wait_indirect_dma semaphore(%arg8 : memref<!tpu.dma_semaphore, #tpu.memory_space<semaphore_mem>>) src(%dma_wait3A_394 : memref<11024x64xf32, #tpu.memory_space<hbm>>) dst(%arg7 : memref<400x64xf32, #tpu.memory_space<vmem>>)
    %dma_wait3A_395 = arith.constant 5600 : i32
    %dma_wait3A_396 = tpu.memref_slice %arg4[%select_n3A_30, %dma_wait3A_395, %mul3A_383] : memref<16x10000x128xf32, #tpu.memory_space<hbm>> -> memref<1x400x64xf32, #tpu.memory_space<hbm>>
    %dma_wait3A_397 = tpu.memref_squeeze %dma_wait3A_396 : memref<1x400x64xf32, #tpu.memory_space<hbm>> -> memref<400x64xf32, #tpu.memory_space<hbm>>
    %dma_wait3A_398 = arith.constant 5600 : i32
    %dma_wait3A_399 = tpu.memref_slice %arg4[%select_n3A_30, %dma_wait3A_398, %mul3A_383] : memref<16x10000x128xf32, #tpu.memory_space<hbm>> -> memref<1x400x64xf32, #tpu.memory_space<hbm>>
    %dma_wait3A_400 = tpu.memref_squeeze %dma_wait3A_399 : memref<1x400x64xf32, #tpu.memory_space<hbm>> -> memref<400x64xf32, #tpu.memory_space<hbm>>
    tpu.wait_dma2 semaphore(%arg9 : memref<!tpu.dma_semaphore, #tpu.memory_space<semaphore_mem>>) src(%arg6 : memref<400x64xf32, #tpu.memory_space<vmem>>) dst(%dma_wait3A_400 : memref<400x64xf32, #tpu.memory_space<hbm>>)
    %dma_start3A_401 = arith.constant 6400 : i32
    %dma_start3A_402 = tpu.memref_slice %arg5[%dma_start3A_401] : memref<10000xi32, #tpu.memory_space<vmem>> -> memref<400xi32, #tpu.memory_space<vmem>>
    %dma_start3A_403 = arith.constant 0 : i32
    %dma_start3A_404 = arith.constant 0 : i32
    %dma_start3A_405 = tpu.memref_slice %arg2[%dma_start3A_403, %dma_start3A_404] : memref<11024x64xf32, #tpu.memory_space<hbm>> -> memref<11024x64xf32, #tpu.memory_space<hbm>>
    tpu.enqueue_indirect_dma source(%dma_start3A_405 : memref<11024x64xf32, #tpu.memory_space<hbm>>) target(%arg6 : memref<400x64xf32, #tpu.memory_space<vmem>>) offsets(%dma_start3A_402 : memref<400xi32, #tpu.memory_space<vmem>>) semaphore(%arg8 : memref<!tpu.dma_semaphore, #tpu.memory_space<semaphore_mem>>)
    %mul3A_406 = arith.constant 64 : i32
    %mul3A_407 = arith.muli %select_n3A, %mul3A_406 : i32
    %dma_start3A_408 = arith.constant 6000 : i32
    %dma_start3A_409 = tpu.memref_slice %arg4[%select_n3A_30, %dma_start3A_408, %mul3A_407] : memref<16x10000x128xf32, #tpu.memory_space<hbm>> -> memref<1x400x64xf32, #tpu.memory_space<hbm>>
    %dma_start3A_410 = tpu.memref_squeeze %dma_start3A_409 : memref<1x400x64xf32, #tpu.memory_space<hbm>> -> memref<400x64xf32, #tpu.memory_space<hbm>>
    %dma_start3A_411 = arith.constant 6000 : i32
    %dma_start3A_412 = tpu.memref_slice %arg4[%select_n3A_30, %dma_start3A_411, %mul3A_407] : memref<16x10000x128xf32, #tpu.memory_space<hbm>> -> memref<1x400x64xf32, #tpu.memory_space<hbm>>
    %dma_start3A_413 = tpu.memref_squeeze %dma_start3A_412 : memref<1x400x64xf32, #tpu.memory_space<hbm>> -> memref<400x64xf32, #tpu.memory_space<hbm>>
    tpu.enqueue_dma source(%arg7 : memref<400x64xf32, #tpu.memory_space<vmem>>) target(%dma_start3A_413 : memref<400x64xf32, #tpu.memory_space<hbm>>) target_semaphore(%arg9 : memref<!tpu.dma_semaphore, #tpu.memory_space<semaphore_mem>>)
    %dma_wait3A_414 = arith.constant 6400 : i32
    %dma_wait3A_415 = tpu.memref_slice %arg5[%dma_wait3A_414] : memref<10000xi32, #tpu.memory_space<vmem>> -> memref<400xi32, #tpu.memory_space<vmem>>
    %dma_wait3A_416 = arith.constant 0 : i32
    %dma_wait3A_417 = arith.constant 0 : i32
    %dma_wait3A_418 = tpu.memref_slice %arg2[%dma_wait3A_416, %dma_wait3A_417] : memref<11024x64xf32, #tpu.memory_space<hbm>> -> memref<11024x64xf32, #tpu.memory_space<hbm>>
    tpu.wait_indirect_dma semaphore(%arg8 : memref<!tpu.dma_semaphore, #tpu.memory_space<semaphore_mem>>) src(%dma_wait3A_418 : memref<11024x64xf32, #tpu.memory_space<hbm>>) dst(%arg6 : memref<400x64xf32, #tpu.memory_space<vmem>>)
    %dma_wait3A_419 = arith.constant 6000 : i32
    %dma_wait3A_420 = tpu.memref_slice %arg4[%select_n3A_30, %dma_wait3A_419, %mul3A_407] : memref<16x10000x128xf32, #tpu.memory_space<hbm>> -> memref<1x400x64xf32, #tpu.memory_space<hbm>>
    %dma_wait3A_421 = tpu.memref_squeeze %dma_wait3A_420 : memref<1x400x64xf32, #tpu.memory_space<hbm>> -> memref<400x64xf32, #tpu.memory_space<hbm>>
    %dma_wait3A_422 = arith.constant 6000 : i32
    %dma_wait3A_423 = tpu.memref_slice %arg4[%select_n3A_30, %dma_wait3A_422, %mul3A_407] : memref<16x10000x128xf32, #tpu.memory_space<hbm>> -> memref<1x400x64xf32, #tpu.memory_space<hbm>>
    %dma_wait3A_424 = tpu.memref_squeeze %dma_wait3A_423 : memref<1x400x64xf32, #tpu.memory_space<hbm>> -> memref<400x64xf32, #tpu.memory_space<hbm>>
    tpu.wait_dma2 semaphore(%arg9 : memref<!tpu.dma_semaphore, #tpu.memory_space<semaphore_mem>>) src(%arg7 : memref<400x64xf32, #tpu.memory_space<vmem>>) dst(%dma_wait3A_424 : memref<400x64xf32, #tpu.memory_space<hbm>>)
    %dma_start3A_425 = arith.constant 6800 : i32
    %dma_start3A_426 = tpu.memref_slice %arg5[%dma_start3A_425] : memref<10000xi32, #tpu.memory_space<vmem>> -> memref<400xi32, #tpu.memory_space<vmem>>
    %dma_start3A_427 = arith.constant 0 : i32
    %dma_start3A_428 = arith.constant 0 : i32
    %dma_start3A_429 = tpu.memref_slice %arg2[%dma_start3A_427, %dma_start3A_428] : memref<11024x64xf32, #tpu.memory_space<hbm>> -> memref<11024x64xf32, #tpu.memory_space<hbm>>
    tpu.enqueue_indirect_dma source(%dma_start3A_429 : memref<11024x64xf32, #tpu.memory_space<hbm>>) target(%arg7 : memref<400x64xf32, #tpu.memory_space<vmem>>) offsets(%dma_start3A_426 : memref<400xi32, #tpu.memory_space<vmem>>) semaphore(%arg8 : memref<!tpu.dma_semaphore, #tpu.memory_space<semaphore_mem>>)
    %mul3A_430 = arith.constant 64 : i32
    %mul3A_431 = arith.muli %select_n3A, %mul3A_430 : i32
    %dma_start3A_432 = arith.constant 6400 : i32
    %dma_start3A_433 = tpu.memref_slice %arg4[%select_n3A_30, %dma_start3A_432, %mul3A_431] : memref<16x10000x128xf32, #tpu.memory_space<hbm>> -> memref<1x400x64xf32, #tpu.memory_space<hbm>>
    %dma_start3A_434 = tpu.memref_squeeze %dma_start3A_433 : memref<1x400x64xf32, #tpu.memory_space<hbm>> -> memref<400x64xf32, #tpu.memory_space<hbm>>
    %dma_start3A_435 = arith.constant 6400 : i32
    %dma_start3A_436 = tpu.memref_slice %arg4[%select_n3A_30, %dma_start3A_435, %mul3A_431] : memref<16x10000x128xf32, #tpu.memory_space<hbm>> -> memref<1x400x64xf32, #tpu.memory_space<hbm>>
    %dma_start3A_437 = tpu.memref_squeeze %dma_start3A_436 : memref<1x400x64xf32, #tpu.memory_space<hbm>> -> memref<400x64xf32, #tpu.memory_space<hbm>>
    tpu.enqueue_dma source(%arg6 : memref<400x64xf32, #tpu.memory_space<vmem>>) target(%dma_start3A_437 : memref<400x64xf32, #tpu.memory_space<hbm>>) target_semaphore(%arg9 : memref<!tpu.dma_semaphore, #tpu.memory_space<semaphore_mem>>)
    %dma_wait3A_438 = arith.constant 6800 : i32
    %dma_wait3A_439 = tpu.memref_slice %arg5[%dma_wait3A_438] : memref<10000xi32, #tpu.memory_space<vmem>> -> memref<400xi32, #tpu.memory_space<vmem>>
    %dma_wait3A_440 = arith.constant 0 : i32
    %dma_wait3A_441 = arith.constant 0 : i32
    %dma_wait3A_442 = tpu.memref_slice %arg2[%dma_wait3A_440, %dma_wait3A_441] : memref<11024x64xf32, #tpu.memory_space<hbm>> -> memref<11024x64xf32, #tpu.memory_space<hbm>>
    tpu.wait_indirect_dma semaphore(%arg8 : memref<!tpu.dma_semaphore, #tpu.memory_space<semaphore_mem>>) src(%dma_wait3A_442 : memref<11024x64xf32, #tpu.memory_space<hbm>>) dst(%arg7 : memref<400x64xf32, #tpu.memory_space<vmem>>)
    %dma_wait3A_443 = arith.constant 6400 : i32
    %dma_wait3A_444 = tpu.memref_slice %arg4[%select_n3A_30, %dma_wait3A_443, %mul3A_431] : memref<16x10000x128xf32, #tpu.memory_space<hbm>> -> memref<1x400x64xf32, #tpu.memory_space<hbm>>
    %dma_wait3A_445 = tpu.memref_squeeze %dma_wait3A_444 : memref<1x400x64xf32, #tpu.memory_space<hbm>> -> memref<400x64xf32, #tpu.memory_space<hbm>>
    %dma_wait3A_446 = arith.constant 6400 : i32
    %dma_wait3A_447 = tpu.memref_slice %arg4[%select_n3A_30, %dma_wait3A_446, %mul3A_431] : memref<16x10000x128xf32, #tpu.memory_space<hbm>> -> memref<1x400x64xf32, #tpu.memory_space<hbm>>
    %dma_wait3A_448 = tpu.memref_squeeze %dma_wait3A_447 : memref<1x400x64xf32, #tpu.memory_space<hbm>> -> memref<400x64xf32, #tpu.memory_space<hbm>>
    tpu.wait_dma2 semaphore(%arg9 : memref<!tpu.dma_semaphore, #tpu.memory_space<semaphore_mem>>) src(%arg6 : memref<400x64xf32, #tpu.memory_space<vmem>>) dst(%dma_wait3A_448 : memref<400x64xf32, #tpu.memory_space<hbm>>)
    %dma_start3A_449 = arith.constant 7200 : i32
    %dma_start3A_450 = tpu.memref_slice %arg5[%dma_start3A_449] : memref<10000xi32, #tpu.memory_space<vmem>> -> memref<400xi32, #tpu.memory_space<vmem>>
    %dma_start3A_451 = arith.constant 0 : i32
    %dma_start3A_452 = arith.constant 0 : i32
    %dma_start3A_453 = tpu.memref_slice %arg2[%dma_start3A_451, %dma_start3A_452] : memref<11024x64xf32, #tpu.memory_space<hbm>> -> memref<11024x64xf32, #tpu.memory_space<hbm>>
    tpu.enqueue_indirect_dma source(%dma_start3A_453 : memref<11024x64xf32, #tpu.memory_space<hbm>>) target(%arg6 : memref<400x64xf32, #tpu.memory_space<vmem>>) offsets(%dma_start3A_450 : memref<400xi32, #tpu.memory_space<vmem>>) semaphore(%arg8 : memref<!tpu.dma_semaphore, #tpu.memory_space<semaphore_mem>>)
    %mul3A_454 = arith.constant 64 : i32
    %mul3A_455 = arith.muli %select_n3A, %mul3A_454 : i32
    %dma_start3A_456 = arith.constant 6800 : i32
    %dma_start3A_457 = tpu.memref_slice %arg4[%select_n3A_30, %dma_start3A_456, %mul3A_455] : memref<16x10000x128xf32, #tpu.memory_space<hbm>> -> memref<1x400x64xf32, #tpu.memory_space<hbm>>
    %dma_start3A_458 = tpu.memref_squeeze %dma_start3A_457 : memref<1x400x64xf32, #tpu.memory_space<hbm>> -> memref<400x64xf32, #tpu.memory_space<hbm>>
    %dma_start3A_459 = arith.constant 6800 : i32
    %dma_start3A_460 = tpu.memref_slice %arg4[%select_n3A_30, %dma_start3A_459, %mul3A_455] : memref<16x10000x128xf32, #tpu.memory_space<hbm>> -> memref<1x400x64xf32, #tpu.memory_space<hbm>>
    %dma_start3A_461 = tpu.memref_squeeze %dma_start3A_460 : memref<1x400x64xf32, #tpu.memory_space<hbm>> -> memref<400x64xf32, #tpu.memory_space<hbm>>
    tpu.enqueue_dma source(%arg7 : memref<400x64xf32, #tpu.memory_space<vmem>>) target(%dma_start3A_461 : memref<400x64xf32, #tpu.memory_space<hbm>>) target_semaphore(%arg9 : memref<!tpu.dma_semaphore, #tpu.memory_space<semaphore_mem>>)
    %dma_wait3A_462 = arith.constant 7200 : i32
    %dma_wait3A_463 = tpu.memref_slice %arg5[%dma_wait3A_462] : memref<10000xi32, #tpu.memory_space<vmem>> -> memref<400xi32, #tpu.memory_space<vmem>>
    %dma_wait3A_464 = arith.constant 0 : i32
    %dma_wait3A_465 = arith.constant 0 : i32
    %dma_wait3A_466 = tpu.memref_slice %arg2[%dma_wait3A_464, %dma_wait3A_465] : memref<11024x64xf32, #tpu.memory_space<hbm>> -> memref<11024x64xf32, #tpu.memory_space<hbm>>
    tpu.wait_indirect_dma semaphore(%arg8 : memref<!tpu.dma_semaphore, #tpu.memory_space<semaphore_mem>>) src(%dma_wait3A_466 : memref<11024x64xf32, #tpu.memory_space<hbm>>) dst(%arg6 : memref<400x64xf32, #tpu.memory_space<vmem>>)
    %dma_wait3A_467 = arith.constant 6800 : i32
    %dma_wait3A_468 = tpu.memref_slice %arg4[%select_n3A_30, %dma_wait3A_467, %mul3A_455] : memref<16x10000x128xf32, #tpu.memory_space<hbm>> -> memref<1x400x64xf32, #tpu.memory_space<hbm>>
    %dma_wait3A_469 = tpu.memref_squeeze %dma_wait3A_468 : memref<1x400x64xf32, #tpu.memory_space<hbm>> -> memref<400x64xf32, #tpu.memory_space<hbm>>
    %dma_wait3A_470 = arith.constant 6800 : i32
    %dma_wait3A_471 = tpu.memref_slice %arg4[%select_n3A_30, %dma_wait3A_470, %mul3A_455] : memref<16x10000x128xf32, #tpu.memory_space<hbm>> -> memref<1x400x64xf32, #tpu.memory_space<hbm>>
    %dma_wait3A_472 = tpu.memref_squeeze %dma_wait3A_471 : memref<1x400x64xf32, #tpu.memory_space<hbm>> -> memref<400x64xf32, #tpu.memory_space<hbm>>
    tpu.wait_dma2 semaphore(%arg9 : memref<!tpu.dma_semaphore, #tpu.memory_space<semaphore_mem>>) src(%arg7 : memref<400x64xf32, #tpu.memory_space<vmem>>) dst(%dma_wait3A_472 : memref<400x64xf32, #tpu.memory_space<hbm>>)
    %dma_start3A_473 = arith.constant 7600 : i32
    %dma_start3A_474 = tpu.memref_slice %arg5[%dma_start3A_473] : memref<10000xi32, #tpu.memory_space<vmem>> -> memref<400xi32, #tpu.memory_space<vmem>>
    %dma_start3A_475 = arith.constant 0 : i32
    %dma_start3A_476 = arith.constant 0 : i32
    %dma_start3A_477 = tpu.memref_slice %arg2[%dma_start3A_475, %dma_start3A_476] : memref<11024x64xf32, #tpu.memory_space<hbm>> -> memref<11024x64xf32, #tpu.memory_space<hbm>>
    tpu.enqueue_indirect_dma source(%dma_start3A_477 : memref<11024x64xf32, #tpu.memory_space<hbm>>) target(%arg7 : memref<400x64xf32, #tpu.memory_space<vmem>>) offsets(%dma_start3A_474 : memref<400xi32, #tpu.memory_space<vmem>>) semaphore(%arg8 : memref<!tpu.dma_semaphore, #tpu.memory_space<semaphore_mem>>)
    %mul3A_478 = arith.constant 64 : i32
    %mul3A_479 = arith.muli %select_n3A, %mul3A_478 : i32
    %dma_start3A_480 = arith.constant 7200 : i32
    %dma_start3A_481 = tpu.memref_slice %arg4[%select_n3A_30, %dma_start3A_480, %mul3A_479] : memref<16x10000x128xf32, #tpu.memory_space<hbm>> -> memref<1x400x64xf32, #tpu.memory_space<hbm>>
    %dma_start3A_482 = tpu.memref_squeeze %dma_start3A_481 : memref<1x400x64xf32, #tpu.memory_space<hbm>> -> memref<400x64xf32, #tpu.memory_space<hbm>>
    %dma_start3A_483 = arith.constant 7200 : i32
    %dma_start3A_484 = tpu.memref_slice %arg4[%select_n3A_30, %dma_start3A_483, %mul3A_479] : memref<16x10000x128xf32, #tpu.memory_space<hbm>> -> memref<1x400x64xf32, #tpu.memory_space<hbm>>
    %dma_start3A_485 = tpu.memref_squeeze %dma_start3A_484 : memref<1x400x64xf32, #tpu.memory_space<hbm>> -> memref<400x64xf32, #tpu.memory_space<hbm>>
    tpu.enqueue_dma source(%arg6 : memref<400x64xf32, #tpu.memory_space<vmem>>) target(%dma_start3A_485 : memref<400x64xf32, #tpu.memory_space<hbm>>) target_semaphore(%arg9 : memref<!tpu.dma_semaphore, #tpu.memory_space<semaphore_mem>>)
    %dma_wait3A_486 = arith.constant 7600 : i32
    %dma_wait3A_487 = tpu.memref_slice %arg5[%dma_wait3A_486] : memref<10000xi32, #tpu.memory_space<vmem>> -> memref<400xi32, #tpu.memory_space<vmem>>
    %dma_wait3A_488 = arith.constant 0 : i32
    %dma_wait3A_489 = arith.constant 0 : i32
    %dma_wait3A_490 = tpu.memref_slice %arg2[%dma_wait3A_488, %dma_wait3A_489] : memref<11024x64xf32, #tpu.memory_space<hbm>> -> memref<11024x64xf32, #tpu.memory_space<hbm>>
    tpu.wait_indirect_dma semaphore(%arg8 : memref<!tpu.dma_semaphore, #tpu.memory_space<semaphore_mem>>) src(%dma_wait3A_490 : memref<11024x64xf32, #tpu.memory_space<hbm>>) dst(%arg7 : memref<400x64xf32, #tpu.memory_space<vmem>>)
    %dma_wait3A_491 = arith.constant 7200 : i32
    %dma_wait3A_492 = tpu.memref_slice %arg4[%select_n3A_30, %dma_wait3A_491, %mul3A_479] : memref<16x10000x128xf32, #tpu.memory_space<hbm>> -> memref<1x400x64xf32, #tpu.memory_space<hbm>>
    %dma_wait3A_493 = tpu.memref_squeeze %dma_wait3A_492 : memref<1x400x64xf32, #tpu.memory_space<hbm>> -> memref<400x64xf32, #tpu.memory_space<hbm>>
    %dma_wait3A_494 = arith.constant 7200 : i32
    %dma_wait3A_495 = tpu.memref_slice %arg4[%select_n3A_30, %dma_wait3A_494, %mul3A_479] : memref<16x10000x128xf32, #tpu.memory_space<hbm>> -> memref<1x400x64xf32, #tpu.memory_space<hbm>>
    %dma_wait3A_496 = tpu.memref_squeeze %dma_wait3A_495 : memref<1x400x64xf32, #tpu.memory_space<hbm>> -> memref<400x64xf32, #tpu.memory_space<hbm>>
    tpu.wait_dma2 semaphore(%arg9 : memref<!tpu.dma_semaphore, #tpu.memory_space<semaphore_mem>>) src(%arg6 : memref<400x64xf32, #tpu.memory_space<vmem>>) dst(%dma_wait3A_496 : memref<400x64xf32, #tpu.memory_space<hbm>>)
    %dma_start3A_497 = arith.constant 8000 : i32
    %dma_start3A_498 = tpu.memref_slice %arg5[%dma_start3A_497] : memref<10000xi32, #tpu.memory_space<vmem>> -> memref<400xi32, #tpu.memory_space<vmem>>
    %dma_start3A_499 = arith.constant 0 : i32
    %dma_start3A_500 = arith.constant 0 : i32
    %dma_start3A_501 = tpu.memref_slice %arg2[%dma_start3A_499, %dma_start3A_500] : memref<11024x64xf32, #tpu.memory_space<hbm>> -> memref<11024x64xf32, #tpu.memory_space<hbm>>
    tpu.enqueue_indirect_dma source(%dma_start3A_501 : memref<11024x64xf32, #tpu.memory_space<hbm>>) target(%arg6 : memref<400x64xf32, #tpu.memory_space<vmem>>) offsets(%dma_start3A_498 : memref<400xi32, #tpu.memory_space<vmem>>) semaphore(%arg8 : memref<!tpu.dma_semaphore, #tpu.memory_space<semaphore_mem>>)
    %mul3A_502 = arith.constant 64 : i32
    %mul3A_503 = arith.muli %select_n3A, %mul3A_502 : i32
    %dma_start3A_504 = arith.constant 7600 : i32
    %dma_start3A_505 = tpu.memref_slice %arg4[%select_n3A_30, %dma_start3A_504, %mul3A_503] : memref<16x10000x128xf32, #tpu.memory_space<hbm>> -> memref<1x400x64xf32, #tpu.memory_space<hbm>>
    %dma_start3A_506 = tpu.memref_squeeze %dma_start3A_505 : memref<1x400x64xf32, #tpu.memory_space<hbm>> -> memref<400x64xf32, #tpu.memory_space<hbm>>
    %dma_start3A_507 = arith.constant 7600 : i32
    %dma_start3A_508 = tpu.memref_slice %arg4[%select_n3A_30, %dma_start3A_507, %mul3A_503] : memref<16x10000x128xf32, #tpu.memory_space<hbm>> -> memref<1x400x64xf32, #tpu.memory_space<hbm>>
    %dma_start3A_509 = tpu.memref_squeeze %dma_start3A_508 : memref<1x400x64xf32, #tpu.memory_space<hbm>> -> memref<400x64xf32, #tpu.memory_space<hbm>>
    tpu.enqueue_dma source(%arg7 : memref<400x64xf32, #tpu.memory_space<vmem>>) target(%dma_start3A_509 : memref<400x64xf32, #tpu.memory_space<hbm>>) target_semaphore(%arg9 : memref<!tpu.dma_semaphore, #tpu.memory_space<semaphore_mem>>)
    %dma_wait3A_510 = arith.constant 8000 : i32
    %dma_wait3A_511 = tpu.memref_slice %arg5[%dma_wait3A_510] : memref<10000xi32, #tpu.memory_space<vmem>> -> memref<400xi32, #tpu.memory_space<vmem>>
    %dma_wait3A_512 = arith.constant 0 : i32
    %dma_wait3A_513 = arith.constant 0 : i32
    %dma_wait3A_514 = tpu.memref_slice %arg2[%dma_wait3A_512, %dma_wait3A_513] : memref<11024x64xf32, #tpu.memory_space<hbm>> -> memref<11024x64xf32, #tpu.memory_space<hbm>>
    tpu.wait_indirect_dma semaphore(%arg8 : memref<!tpu.dma_semaphore, #tpu.memory_space<semaphore_mem>>) src(%dma_wait3A_514 : memref<11024x64xf32, #tpu.memory_space<hbm>>) dst(%arg6 : memref<400x64xf32, #tpu.memory_space<vmem>>)
    %dma_wait3A_515 = arith.constant 7600 : i32
    %dma_wait3A_516 = tpu.memref_slice %arg4[%select_n3A_30, %dma_wait3A_515, %mul3A_503] : memref<16x10000x128xf32, #tpu.memory_space<hbm>> -> memref<1x400x64xf32, #tpu.memory_space<hbm>>
    %dma_wait3A_517 = tpu.memref_squeeze %dma_wait3A_516 : memref<1x400x64xf32, #tpu.memory_space<hbm>> -> memref<400x64xf32, #tpu.memory_space<hbm>>
    %dma_wait3A_518 = arith.constant 7600 : i32
    %dma_wait3A_519 = tpu.memref_slice %arg4[%select_n3A_30, %dma_wait3A_518, %mul3A_503] : memref<16x10000x128xf32, #tpu.memory_space<hbm>> -> memref<1x400x64xf32, #tpu.memory_space<hbm>>
    %dma_wait3A_520 = tpu.memref_squeeze %dma_wait3A_519 : memref<1x400x64xf32, #tpu.memory_space<hbm>> -> memref<400x64xf32, #tpu.memory_space<hbm>>
    tpu.wait_dma2 semaphore(%arg9 : memref<!tpu.dma_semaphore, #tpu.memory_space<semaphore_mem>>) src(%arg7 : memref<400x64xf32, #tpu.memory_space<vmem>>) dst(%dma_wait3A_520 : memref<400x64xf32, #tpu.memory_space<hbm>>)
    %dma_start3A_521 = arith.constant 8400 : i32
    %dma_start3A_522 = tpu.memref_slice %arg5[%dma_start3A_521] : memref<10000xi32, #tpu.memory_space<vmem>> -> memref<400xi32, #tpu.memory_space<vmem>>
    %dma_start3A_523 = arith.constant 0 : i32
    %dma_start3A_524 = arith.constant 0 : i32
    %dma_start3A_525 = tpu.memref_slice %arg2[%dma_start3A_523, %dma_start3A_524] : memref<11024x64xf32, #tpu.memory_space<hbm>> -> memref<11024x64xf32, #tpu.memory_space<hbm>>
    tpu.enqueue_indirect_dma source(%dma_start3A_525 : memref<11024x64xf32, #tpu.memory_space<hbm>>) target(%arg7 : memref<400x64xf32, #tpu.memory_space<vmem>>) offsets(%dma_start3A_522 : memref<400xi32, #tpu.memory_space<vmem>>) semaphore(%arg8 : memref<!tpu.dma_semaphore, #tpu.memory_space<semaphore_mem>>)
    %mul3A_526 = arith.constant 64 : i32
    %mul3A_527 = arith.muli %select_n3A, %mul3A_526 : i32
    %dma_start3A_528 = arith.constant 8000 : i32
    %dma_start3A_529 = tpu.memref_slice %arg4[%select_n3A_30, %dma_start3A_528, %mul3A_527] : memref<16x10000x128xf32, #tpu.memory_space<hbm>> -> memref<1x400x64xf32, #tpu.memory_space<hbm>>
    %dma_start3A_530 = tpu.memref_squeeze %dma_start3A_529 : memref<1x400x64xf32, #tpu.memory_space<hbm>> -> memref<400x64xf32, #tpu.memory_space<hbm>>
    %dma_start3A_531 = arith.constant 8000 : i32
    %dma_start3A_532 = tpu.memref_slice %arg4[%select_n3A_30, %dma_start3A_531, %mul3A_527] : memref<16x10000x128xf32, #tpu.memory_space<hbm>> -> memref<1x400x64xf32, #tpu.memory_space<hbm>>
    %dma_start3A_533 = tpu.memref_squeeze %dma_start3A_532 : memref<1x400x64xf32, #tpu.memory_space<hbm>> -> memref<400x64xf32, #tpu.memory_space<hbm>>
    tpu.enqueue_dma source(%arg6 : memref<400x64xf32, #tpu.memory_space<vmem>>) target(%dma_start3A_533 : memref<400x64xf32, #tpu.memory_space<hbm>>) target_semaphore(%arg9 : memref<!tpu.dma_semaphore, #tpu.memory_space<semaphore_mem>>)
    %dma_wait3A_534 = arith.constant 8400 : i32
    %dma_wait3A_535 = tpu.memref_slice %arg5[%dma_wait3A_534] : memref<10000xi32, #tpu.memory_space<vmem>> -> memref<400xi32, #tpu.memory_space<vmem>>
    %dma_wait3A_536 = arith.constant 0 : i32
    %dma_wait3A_537 = arith.constant 0 : i32
    %dma_wait3A_538 = tpu.memref_slice %arg2[%dma_wait3A_536, %dma_wait3A_537] : memref<11024x64xf32, #tpu.memory_space<hbm>> -> memref<11024x64xf32, #tpu.memory_space<hbm>>
    tpu.wait_indirect_dma semaphore(%arg8 : memref<!tpu.dma_semaphore, #tpu.memory_space<semaphore_mem>>) src(%dma_wait3A_538 : memref<11024x64xf32, #tpu.memory_space<hbm>>) dst(%arg7 : memref<400x64xf32, #tpu.memory_space<vmem>>)
    %dma_wait3A_539 = arith.constant 8000 : i32
    %dma_wait3A_540 = tpu.memref_slice %arg4[%select_n3A_30, %dma_wait3A_539, %mul3A_527] : memref<16x10000x128xf32, #tpu.memory_space<hbm>> -> memref<1x400x64xf32, #tpu.memory_space<hbm>>
    %dma_wait3A_541 = tpu.memref_squeeze %dma_wait3A_540 : memref<1x400x64xf32, #tpu.memory_space<hbm>> -> memref<400x64xf32, #tpu.memory_space<hbm>>
    %dma_wait3A_542 = arith.constant 8000 : i32
    %dma_wait3A_543 = tpu.memref_slice %arg4[%select_n3A_30, %dma_wait3A_542, %mul3A_527] : memref<16x10000x128xf32, #tpu.memory_space<hbm>> -> memref<1x400x64xf32, #tpu.memory_space<hbm>>
    %dma_wait3A_544 = tpu.memref_squeeze %dma_wait3A_543 : memref<1x400x64xf32, #tpu.memory_space<hbm>> -> memref<400x64xf32, #tpu.memory_space<hbm>>
    tpu.wait_dma2 semaphore(%arg9 : memref<!tpu.dma_semaphore, #tpu.memory_space<semaphore_mem>>) src(%arg6 : memref<400x64xf32, #tpu.memory_space<vmem>>) dst(%dma_wait3A_544 : memref<400x64xf32, #tpu.memory_space<hbm>>)
    %dma_start3A_545 = arith.constant 8800 : i32
    %dma_start3A_546 = tpu.memref_slice %arg5[%dma_start3A_545] : memref<10000xi32, #tpu.memory_space<vmem>> -> memref<400xi32, #tpu.memory_space<vmem>>
    %dma_start3A_547 = arith.constant 0 : i32
    %dma_start3A_548 = arith.constant 0 : i32
    %dma_start3A_549 = tpu.memref_slice %arg2[%dma_start3A_547, %dma_start3A_548] : memref<11024x64xf32, #tpu.memory_space<hbm>> -> memref<11024x64xf32, #tpu.memory_space<hbm>>
    tpu.enqueue_indirect_dma source(%dma_start3A_549 : memref<11024x64xf32, #tpu.memory_space<hbm>>) target(%arg6 : memref<400x64xf32, #tpu.memory_space<vmem>>) offsets(%dma_start3A_546 : memref<400xi32, #tpu.memory_space<vmem>>) semaphore(%arg8 : memref<!tpu.dma_semaphore, #tpu.memory_space<semaphore_mem>>)
    %mul3A_550 = arith.constant 64 : i32
    %mul3A_551 = arith.muli %select_n3A, %mul3A_550 : i32
    %dma_start3A_552 = arith.constant 8400 : i32
    %dma_start3A_553 = tpu.memref_slice %arg4[%select_n3A_30, %dma_start3A_552, %mul3A_551] : memref<16x10000x128xf32, #tpu.memory_space<hbm>> -> memref<1x400x64xf32, #tpu.memory_space<hbm>>
    %dma_start3A_554 = tpu.memref_squeeze %dma_start3A_553 : memref<1x400x64xf32, #tpu.memory_space<hbm>> -> memref<400x64xf32, #tpu.memory_space<hbm>>
    %dma_start3A_555 = arith.constant 8400 : i32
    %dma_start3A_556 = tpu.memref_slice %arg4[%select_n3A_30, %dma_start3A_555, %mul3A_551] : memref<16x10000x128xf32, #tpu.memory_space<hbm>> -> memref<1x400x64xf32, #tpu.memory_space<hbm>>
    %dma_start3A_557 = tpu.memref_squeeze %dma_start3A_556 : memref<1x400x64xf32, #tpu.memory_space<hbm>> -> memref<400x64xf32, #tpu.memory_space<hbm>>
    tpu.enqueue_dma source(%arg7 : memref<400x64xf32, #tpu.memory_space<vmem>>) target(%dma_start3A_557 : memref<400x64xf32, #tpu.memory_space<hbm>>) target_semaphore(%arg9 : memref<!tpu.dma_semaphore, #tpu.memory_space<semaphore_mem>>)
    %dma_wait3A_558 = arith.constant 8800 : i32
    %dma_wait3A_559 = tpu.memref_slice %arg5[%dma_wait3A_558] : memref<10000xi32, #tpu.memory_space<vmem>> -> memref<400xi32, #tpu.memory_space<vmem>>
    %dma_wait3A_560 = arith.constant 0 : i32
    %dma_wait3A_561 = arith.constant 0 : i32
    %dma_wait3A_562 = tpu.memref_slice %arg2[%dma_wait3A_560, %dma_wait3A_561] : memref<11024x64xf32, #tpu.memory_space<hbm>> -> memref<11024x64xf32, #tpu.memory_space<hbm>>
    tpu.wait_indirect_dma semaphore(%arg8 : memref<!tpu.dma_semaphore, #tpu.memory_space<semaphore_mem>>) src(%dma_wait3A_562 : memref<11024x64xf32, #tpu.memory_space<hbm>>) dst(%arg6 : memref<400x64xf32, #tpu.memory_space<vmem>>)
    %dma_wait3A_563 = arith.constant 8400 : i32
    %dma_wait3A_564 = tpu.memref_slice %arg4[%select_n3A_30, %dma_wait3A_563, %mul3A_551] : memref<16x10000x128xf32, #tpu.memory_space<hbm>> -> memref<1x400x64xf32, #tpu.memory_space<hbm>>
    %dma_wait3A_565 = tpu.memref_squeeze %dma_wait3A_564 : memref<1x400x64xf32, #tpu.memory_space<hbm>> -> memref<400x64xf32, #tpu.memory_space<hbm>>
    %dma_wait3A_566 = arith.constant 8400 : i32
    %dma_wait3A_567 = tpu.memref_slice %arg4[%select_n3A_30, %dma_wait3A_566, %mul3A_551] : memref<16x10000x128xf32, #tpu.memory_space<hbm>> -> memref<1x400x64xf32, #tpu.memory_space<hbm>>
    %dma_wait3A_568 = tpu.memref_squeeze %dma_wait3A_567 : memref<1x400x64xf32, #tpu.memory_space<hbm>> -> memref<400x64xf32, #tpu.memory_space<hbm>>
    tpu.wait_dma2 semaphore(%arg9 : memref<!tpu.dma_semaphore, #tpu.memory_space<semaphore_mem>>) src(%arg7 : memref<400x64xf32, #tpu.memory_space<vmem>>) dst(%dma_wait3A_568 : memref<400x64xf32, #tpu.memory_space<hbm>>)
    %dma_start3A_569 = arith.constant 9200 : i32
    %dma_start3A_570 = tpu.memref_slice %arg5[%dma_start3A_569] : memref<10000xi32, #tpu.memory_space<vmem>> -> memref<400xi32, #tpu.memory_space<vmem>>
    %dma_start3A_571 = arith.constant 0 : i32
    %dma_start3A_572 = arith.constant 0 : i32
    %dma_start3A_573 = tpu.memref_slice %arg2[%dma_start3A_571, %dma_start3A_572] : memref<11024x64xf32, #tpu.memory_space<hbm>> -> memref<11024x64xf32, #tpu.memory_space<hbm>>
    tpu.enqueue_indirect_dma source(%dma_start3A_573 : memref<11024x64xf32, #tpu.memory_space<hbm>>) target(%arg7 : memref<400x64xf32, #tpu.memory_space<vmem>>) offsets(%dma_start3A_570 : memref<400xi32, #tpu.memory_space<vmem>>) semaphore(%arg8 : memref<!tpu.dma_semaphore, #tpu.memory_space<semaphore_mem>>)
    %mul3A_574 = arith.constant 64 : i32
    %mul3A_575 = arith.muli %select_n3A, %mul3A_574 : i32
    %dma_start3A_576 = arith.constant 8800 : i32
    %dma_start3A_577 = tpu.memref_slice %arg4[%select_n3A_30, %dma_start3A_576, %mul3A_575] : memref<16x10000x128xf32, #tpu.memory_space<hbm>> -> memref<1x400x64xf32, #tpu.memory_space<hbm>>
    %dma_start3A_578 = tpu.memref_squeeze %dma_start3A_577 : memref<1x400x64xf32, #tpu.memory_space<hbm>> -> memref<400x64xf32, #tpu.memory_space<hbm>>
    %dma_start3A_579 = arith.constant 8800 : i32
    %dma_start3A_580 = tpu.memref_slice %arg4[%select_n3A_30, %dma_start3A_579, %mul3A_575] : memref<16x10000x128xf32, #tpu.memory_space<hbm>> -> memref<1x400x64xf32, #tpu.memory_space<hbm>>
    %dma_start3A_581 = tpu.memref_squeeze %dma_start3A_580 : memref<1x400x64xf32, #tpu.memory_space<hbm>> -> memref<400x64xf32, #tpu.memory_space<hbm>>
    tpu.enqueue_dma source(%arg6 : memref<400x64xf32, #tpu.memory_space<vmem>>) target(%dma_start3A_581 : memref<400x64xf32, #tpu.memory_space<hbm>>) target_semaphore(%arg9 : memref<!tpu.dma_semaphore, #tpu.memory_space<semaphore_mem>>)
    %dma_wait3A_582 = arith.constant 9200 : i32
    %dma_wait3A_583 = tpu.memref_slice %arg5[%dma_wait3A_582] : memref<10000xi32, #tpu.memory_space<vmem>> -> memref<400xi32, #tpu.memory_space<vmem>>
    %dma_wait3A_584 = arith.constant 0 : i32
    %dma_wait3A_585 = arith.constant 0 : i32
    %dma_wait3A_586 = tpu.memref_slice %arg2[%dma_wait3A_584, %dma_wait3A_585] : memref<11024x64xf32, #tpu.memory_space<hbm>> -> memref<11024x64xf32, #tpu.memory_space<hbm>>
    tpu.wait_indirect_dma semaphore(%arg8 : memref<!tpu.dma_semaphore, #tpu.memory_space<semaphore_mem>>) src(%dma_wait3A_586 : memref<11024x64xf32, #tpu.memory_space<hbm>>) dst(%arg7 : memref<400x64xf32, #tpu.memory_space<vmem>>)
    %dma_wait3A_587 = arith.constant 8800 : i32
    %dma_wait3A_588 = tpu.memref_slice %arg4[%select_n3A_30, %dma_wait3A_587, %mul3A_575] : memref<16x10000x128xf32, #tpu.memory_space<hbm>> -> memref<1x400x64xf32, #tpu.memory_space<hbm>>
    %dma_wait3A_589 = tpu.memref_squeeze %dma_wait3A_588 : memref<1x400x64xf32, #tpu.memory_space<hbm>> -> memref<400x64xf32, #tpu.memory_space<hbm>>
    %dma_wait3A_590 = arith.constant 8800 : i32
    %dma_wait3A_591 = tpu.memref_slice %arg4[%select_n3A_30, %dma_wait3A_590, %mul3A_575] : memref<16x10000x128xf32, #tpu.memory_space<hbm>> -> memref<1x400x64xf32, #tpu.memory_space<hbm>>
    %dma_wait3A_592 = tpu.memref_squeeze %dma_wait3A_591 : memref<1x400x64xf32, #tpu.memory_space<hbm>> -> memref<400x64xf32, #tpu.memory_space<hbm>>
    tpu.wait_dma2 semaphore(%arg9 : memref<!tpu.dma_semaphore, #tpu.memory_space<semaphore_mem>>) src(%arg6 : memref<400x64xf32, #tpu.memory_space<vmem>>) dst(%dma_wait3A_592 : memref<400x64xf32, #tpu.memory_space<hbm>>)
    %dma_start3A_593 = arith.constant 9600 : i32
    %dma_start3A_594 = tpu.memref_slice %arg5[%dma_start3A_593] : memref<10000xi32, #tpu.memory_space<vmem>> -> memref<400xi32, #tpu.memory_space<vmem>>
    %dma_start3A_595 = arith.constant 0 : i32
    %dma_start3A_596 = arith.constant 0 : i32
    %dma_start3A_597 = tpu.memref_slice %arg2[%dma_start3A_595, %dma_start3A_596] : memref<11024x64xf32, #tpu.memory_space<hbm>> -> memref<11024x64xf32, #tpu.memory_space<hbm>>
    tpu.enqueue_indirect_dma source(%dma_start3A_597 : memref<11024x64xf32, #tpu.memory_space<hbm>>) target(%arg6 : memref<400x64xf32, #tpu.memory_space<vmem>>) offsets(%dma_start3A_594 : memref<400xi32, #tpu.memory_space<vmem>>) semaphore(%arg8 : memref<!tpu.dma_semaphore, #tpu.memory_space<semaphore_mem>>)
    %mul3A_598 = arith.constant 64 : i32
    %mul3A_599 = arith.muli %select_n3A, %mul3A_598 : i32
    %dma_start3A_600 = arith.constant 9200 : i32
    %dma_start3A_601 = tpu.memref_slice %arg4[%select_n3A_30, %dma_start3A_600, %mul3A_599] : memref<16x10000x128xf32, #tpu.memory_space<hbm>> -> memref<1x400x64xf32, #tpu.memory_space<hbm>>
    %dma_start3A_602 = tpu.memref_squeeze %dma_start3A_601 : memref<1x400x64xf32, #tpu.memory_space<hbm>> -> memref<400x64xf32, #tpu.memory_space<hbm>>
    %dma_start3A_603 = arith.constant 9200 : i32
    %dma_start3A_604 = tpu.memref_slice %arg4[%select_n3A_30, %dma_start3A_603, %mul3A_599] : memref<16x10000x128xf32, #tpu.memory_space<hbm>> -> memref<1x400x64xf32, #tpu.memory_space<hbm>>
    %dma_start3A_605 = tpu.memref_squeeze %dma_start3A_604 : memref<1x400x64xf32, #tpu.memory_space<hbm>> -> memref<400x64xf32, #tpu.memory_space<hbm>>
    tpu.enqueue_dma source(%arg7 : memref<400x64xf32, #tpu.memory_space<vmem>>) target(%dma_start3A_605 : memref<400x64xf32, #tpu.memory_space<hbm>>) target_semaphore(%arg9 : memref<!tpu.dma_semaphore, #tpu.memory_space<semaphore_mem>>)
    %dma_wait3A_606 = arith.constant 9600 : i32
    %dma_wait3A_607 = tpu.memref_slice %arg5[%dma_wait3A_606] : memref<10000xi32, #tpu.memory_space<vmem>> -> memref<400xi32, #tpu.memory_space<vmem>>
    %dma_wait3A_608 = arith.constant 0 : i32
    %dma_wait3A_609 = arith.constant 0 : i32
    %dma_wait3A_610 = tpu.memref_slice %arg2[%dma_wait3A_608, %dma_wait3A_609] : memref<11024x64xf32, #tpu.memory_space<hbm>> -> memref<11024x64xf32, #tpu.memory_space<hbm>>
    tpu.wait_indirect_dma semaphore(%arg8 : memref<!tpu.dma_semaphore, #tpu.memory_space<semaphore_mem>>) src(%dma_wait3A_610 : memref<11024x64xf32, #tpu.memory_space<hbm>>) dst(%arg6 : memref<400x64xf32, #tpu.memory_space<vmem>>)
    %dma_wait3A_611 = arith.constant 9200 : i32
    %dma_wait3A_612 = tpu.memref_slice %arg4[%select_n3A_30, %dma_wait3A_611, %mul3A_599] : memref<16x10000x128xf32, #tpu.memory_space<hbm>> -> memref<1x400x64xf32, #tpu.memory_space<hbm>>
    %dma_wait3A_613 = tpu.memref_squeeze %dma_wait3A_612 : memref<1x400x64xf32, #tpu.memory_space<hbm>> -> memref<400x64xf32, #tpu.memory_space<hbm>>
    %dma_wait3A_614 = arith.constant 9200 : i32
    %dma_wait3A_615 = tpu.memref_slice %arg4[%select_n3A_30, %dma_wait3A_614, %mul3A_599] : memref<16x10000x128xf32, #tpu.memory_space<hbm>> -> memref<1x400x64xf32, #tpu.memory_space<hbm>>
    %dma_wait3A_616 = tpu.memref_squeeze %dma_wait3A_615 : memref<1x400x64xf32, #tpu.memory_space<hbm>> -> memref<400x64xf32, #tpu.memory_space<hbm>>
    tpu.wait_dma2 semaphore(%arg9 : memref<!tpu.dma_semaphore, #tpu.memory_space<semaphore_mem>>) src(%arg7 : memref<400x64xf32, #tpu.memory_space<vmem>>) dst(%dma_wait3A_616 : memref<400x64xf32, #tpu.memory_space<hbm>>)
    %mul3A_617 = arith.constant 64 : i32
    %mul3A_618 = arith.muli %select_n3A, %mul3A_617 : i32
    %dma_start3A_619 = arith.constant 9600 : i32
    %dma_start3A_620 = tpu.memref_slice %arg4[%select_n3A_30, %dma_start3A_619, %mul3A_618] : memref<16x10000x128xf32, #tpu.memory_space<hbm>> -> memref<1x400x64xf32, #tpu.memory_space<hbm>>
    %dma_start3A_621 = tpu.memref_squeeze %dma_start3A_620 : memref<1x400x64xf32, #tpu.memory_space<hbm>> -> memref<400x64xf32, #tpu.memory_space<hbm>>
    %dma_start3A_622 = arith.constant 9600 : i32
    %dma_start3A_623 = tpu.memref_slice %arg4[%select_n3A_30, %dma_start3A_622, %mul3A_618] : memref<16x10000x128xf32, #tpu.memory_space<hbm>> -> memref<1x400x64xf32, #tpu.memory_space<hbm>>
    %dma_start3A_624 = tpu.memref_squeeze %dma_start3A_623 : memref<1x400x64xf32, #tpu.memory_space<hbm>> -> memref<400x64xf32, #tpu.memory_space<hbm>>
    tpu.enqueue_dma source(%arg6 : memref<400x64xf32, #tpu.memory_space<vmem>>) target(%dma_start3A_624 : memref<400x64xf32, #tpu.memory_space<hbm>>) target_semaphore(%arg9 : memref<!tpu.dma_semaphore, #tpu.memory_space<semaphore_mem>>)
    %dma_wait3A_625 = arith.constant 9600 : i32
    %dma_wait3A_626 = tpu.memref_slice %arg4[%select_n3A_30, %dma_wait3A_625, %mul3A_618] : memref<16x10000x128xf32, #tpu.memory_space<hbm>> -> memref<1x400x64xf32, #tpu.memory_space<hbm>>
    %dma_wait3A_627 = tpu.memref_squeeze %dma_wait3A_626 : memref<1x400x64xf32, #tpu.memory_space<hbm>> -> memref<400x64xf32, #tpu.memory_space<hbm>>
    %dma_wait3A_628 = arith.constant 9600 : i32
    %dma_wait3A_629 = tpu.memref_slice %arg4[%select_n3A_30, %dma_wait3A_628, %mul3A_618] : memref<16x10000x128xf32, #tpu.memory_space<hbm>> -> memref<1x400x64xf32, #tpu.memory_space<hbm>>
    %dma_wait3A_630 = tpu.memref_squeeze %dma_wait3A_629 : memref<1x400x64xf32, #tpu.memory_space<hbm>> -> memref<400x64xf32, #tpu.memory_space<hbm>>
    tpu.wait_dma2 semaphore(%arg9 : memref<!tpu.dma_semaphore, #tpu.memory_space<semaphore_mem>>) src(%arg6 : memref<400x64xf32, #tpu.memory_space<vmem>>) dst(%dma_wait3A_630 : memref<400x64xf32, #tpu.memory_space<hbm>>)
    return
  }
}

module attributes {stable_mosaic.version = 14 : i64} {
  func.func @_in2f_body(%arg0: memref<10000x128xf32, #tpu.memory_space<vmem>>, %arg1: memref<128x64xf32, #tpu.memory_space<vmem>>, %arg2: memref<11024x64xf32, #tpu.memory_space<vmem>>) attributes {dimension_semantics = [], scalar_prefetch = 0 : i64, scratch_operands = 0 : i64, tpu.core_type = #tpu.core_type<tc>} {
    %get3A = arith.constant 0 : index
    %get3A_0 = arith.constant 0 : index
    %get3A_1 = vector.load %arg0[%get3A, %get3A_0] : memref<10000x128xf32, #tpu.memory_space<vmem>>, vector<10000x128xf32>
    %get3A_2 = arith.constant 0 : index
    %get3A_3 = arith.constant 0 : index
    %get3A_4 = vector.load %arg1[%get3A_2, %get3A_3] : memref<128x64xf32, #tpu.memory_space<vmem>>, vector<128x64xf32>
    %dot_general3A = arith.constant dense<0.000000e+00> : vector<10000x64xf32>
    %dot_general3A_5 = tpu.matmul %get3A_1, %get3A_4, %dot_general3A {dimension_numbers = #tpu.dot_dimension_numbers<[1], [0], [0], [1], [0, 0, 1, 1], [], []>, transpose_lhs_hint = false} : vector<10000x128xf32>, vector<128x64xf32>, vector<10000x64xf32> -> vector<10000x64xf32>
    %swap3A = arith.constant 0 : index
    %swap3A_6 = arith.constant 0 : index
    %swap3A_7 = vector.load %arg2[%swap3A, %swap3A_6] : memref<11024x64xf32, #tpu.memory_space<vmem>>, vector<10000x64xf32>
    tpu.vector_store %arg2[%swap3A, %swap3A_6], %dot_general3A_5 {strides = array<i32>} : memref<11024x64xf32, #tpu.memory_space<vmem>>, vector<10000x64xf32>,
    %broadcast_in_dim3A = arith.constant 0.000000e+00 : f32
    %broadcast_in_dim3A_8 = vector.broadcast %broadcast_in_dim3A : f32 to vector<1024x64xf32>
    %swap3A_9 = arith.constant 10000 : index
    %swap3A_10 = arith.constant 0 : index
    %swap3A_11 = vector.load %arg2[%swap3A_9, %swap3A_10] : memref<11024x64xf32, #tpu.memory_space<vmem>>, vector<1024x64xf32>
    tpu.vector_store %arg2[%swap3A_9, %swap3A_10], %broadcast_in_dim3A_8 {strides = array<i32>} : memref<11024x64xf32, #tpu.memory_space<vmem>>, vector<1024x64xf32>,
    return
  }
}

module attributes {stable_mosaic.version = 14 : i64} {
  func.func @_filt_body(%arg0: i32, %arg1: memref<1x1x16x10000xf32, #tpu.memory_space<vmem>>, %arg2: memref<1x1x16x10000xf32, #tpu.memory_space<vmem>>, %arg3: memref<64x16xf32, #tpu.memory_space<vmem>>, %arg4: memref<64x1xf32, #tpu.memory_space<vmem>>, %arg5: memref<64x64xf32, #tpu.memory_space<vmem>>, %arg6: memref<64x1xf32, #tpu.memory_space<vmem>>, %arg7: memref<1x10000x128xf32, #tpu.memory_space<vmem>>) attributes {dimension_semantics = [#tpu.dimension_semantics<arbitrary>], iteration_bounds = array<i64: 16>, scalar_prefetch = 0 : i64, scratch_operands = 0 : i64, tpu.core_type = #tpu.core_type<tc>, window_params = [{transform_indices = @transform_0, window_bounds = array<i64: 1, 1, 16, 10000>}, {transform_indices = @transform_1, window_bounds = array<i64: 1, 1, 16, 10000>}, {pipeline_mode = #tpu.pipeline_mode<synchronous>, transform_indices = @transform_2, window_bounds = array<i64: 64, 16>}, {pipeline_mode = #tpu.pipeline_mode<synchronous>, transform_indices = @transform_3, window_bounds = array<i64: 64, 1>}, {pipeline_mode = #tpu.pipeline_mode<synchronous>, transform_indices = @transform_4, window_bounds = array<i64: 64, 64>}, {pipeline_mode = #tpu.pipeline_mode<synchronous>, transform_indices = @transform_5, window_bounds = array<i64: 64, 1>}, {transform_indices = @transform_6, window_bounds = array<i64: 1, 10000, 128>}]} {
    %get3A = arith.constant 0 : index
    %get3A_0 = arith.constant 0 : index
    %get3A_1 = vector.load %arg3[%get3A, %get3A_0] : memref<64x16xf32, #tpu.memory_space<vmem>>, vector<64x16xf32>
    %get3A_2 = arith.constant 0 : index
    %get3A_3 = arith.constant 0 : index
    %get3A_4 = arith.constant 0 : index
    %get3A_5 = arith.constant 0 : index
    %get3A_6 = vector.load %arg1[%get3A_2, %get3A_3, %get3A_4, %get3A_5] : memref<1x1x16x10000xf32, #tpu.memory_space<vmem>>, vector<1x1x16x10000xf32>
    %get3A_7 = vector.shape_cast %get3A_6 : vector<1x1x16x10000xf32> to vector<16x10000xf32>
    %dot_general3A = arith.constant dense<0.000000e+00> : vector<64x10000xf32>
    %dot_general3A_8 = tpu.matmul %get3A_1, %get3A_7, %dot_general3A {dimension_numbers = #tpu.dot_dimension_numbers<[1], [0], [0], [1], [0, 0, 1, 1], [], []>, transpose_lhs_hint = false} : vector<64x16xf32>, vector<16x10000xf32>, vector<64x10000xf32> -> vector<64x10000xf32>
    %get3A_9 = arith.constant 0 : index
    %get3A_10 = arith.constant 0 : index
    %get3A_11 = vector.load %arg4[%get3A_9, %get3A_10] : memref<64x1xf32, #tpu.memory_space<vmem>>, vector<64x1xf32>
    %add3A = vector.broadcast %get3A_11 : vector<64x1xf32> to vector<64x10000xf32>
    %add3A_12 = arith.addf %dot_general3A_8, %add3A : vector<64x10000xf32>
    %get3A_13 = arith.constant 0 : index
    %get3A_14 = arith.constant 0 : index
    %get3A_15 = vector.load %arg5[%get3A_13, %get3A_14] : memref<64x64xf32, #tpu.memory_space<vmem>>, vector<64x64xf32>
    %max3A = arith.constant 0.000000e+00 : f32
    %max3A_16 = vector.broadcast %max3A : f32 to vector<64x10000xf32>
    %max3A_17 = arith.maximumf %add3A_12, %max3A_16 : vector<64x10000xf32>
    %abs3A = math.absf %add3A_12 : vector<64x10000xf32>
    %neg3A = arith.constant 0.000000e+00 : f32
    %neg3A_18 = vector.broadcast %neg3A : f32 to vector<64x10000xf32>
    %neg3A_19 = arith.subf %neg3A_18, %abs3A : vector<64x10000xf32>
    %exp3A = math.exp %neg3A_19 : vector<64x10000xf32>
    %log1p3A = math.log1p %exp3A : vector<64x10000xf32>
    %add3A_20 = arith.addf %max3A_17, %log1p3A : vector<64x10000xf32>
    %sub3A = arith.constant 0.693147182 : f32
    %sub3A_21 = vector.broadcast %sub3A : f32 to vector<64x10000xf32>
    %sub3A_22 = arith.subf %add3A_20, %sub3A_21 : vector<64x10000xf32>
    %dot_general3A_23 = arith.constant dense<0.000000e+00> : vector<64x10000xf32>
    %dot_general3A_24 = tpu.matmul %get3A_15, %sub3A_22, %dot_general3A_23 {dimension_numbers = #tpu.dot_dimension_numbers<[1], [0], [0], [1], [0, 0, 1, 1], [], []>, transpose_lhs_hint = false} : vector<64x64xf32>, vector<64x10000xf32>, vector<64x10000xf32> -> vector<64x10000xf32>
    %get3A_25 = arith.constant 0 : index
    %get3A_26 = arith.constant 0 : index
    %get3A_27 = vector.load %arg6[%get3A_25, %get3A_26] : memref<64x1xf32, #tpu.memory_space<vmem>>, vector<64x1xf32>
    %add3A_28 = vector.broadcast %get3A_27 : vector<64x1xf32> to vector<64x10000xf32>
    %add3A_29 = arith.addf %dot_general3A_24, %add3A_28 : vector<64x10000xf32>
    %get3A_30 = arith.constant 0 : index
    %get3A_31 = arith.constant 0 : index
    %get3A_32 = vector.load %arg3[%get3A_30, %get3A_31] : memref<64x16xf32, #tpu.memory_space<vmem>>, vector<64x16xf32>
    %get3A_33 = arith.constant 0 : index
    %get3A_34 = arith.constant 0 : index
    %get3A_35 = arith.constant 0 : index
    %get3A_36 = arith.constant 0 : index
    %get3A_37 = vector.load %arg2[%get3A_33, %get3A_34, %get3A_35, %get3A_36] : memref<1x1x16x10000xf32, #tpu.memory_space<vmem>>, vector<1x1x16x10000xf32>
    %get3A_38 = vector.shape_cast %get3A_37 : vector<1x1x16x10000xf32> to vector<16x10000xf32>
    %dot_general3A_39 = arith.constant dense<0.000000e+00> : vector<64x10000xf32>
    %dot_general3A_40 = tpu.matmul %get3A_32, %get3A_38, %dot_general3A_39 {dimension_numbers = #tpu.dot_dimension_numbers<[1], [0], [0], [1], [0, 0, 1, 1], [], []>, transpose_lhs_hint = false} : vector<64x16xf32>, vector<16x10000xf32>, vector<64x10000xf32> -> vector<64x10000xf32>
    %get3A_41 = arith.constant 0 : index
    %get3A_42 = arith.constant 0 : index
    %get3A_43 = vector.load %arg4[%get3A_41, %get3A_42] : memref<64x1xf32, #tpu.memory_space<vmem>>, vector<64x1xf32>
    %add3A_44 = vector.broadcast %get3A_43 : vector<64x1xf32> to vector<64x10000xf32>
    %add3A_45 = arith.addf %dot_general3A_40, %add3A_44 : vector<64x10000xf32>
    %get3A_46 = arith.constant 0 : index
    %get3A_47 = arith.constant 0 : index
    %get3A_48 = vector.load %arg5[%get3A_46, %get3A_47] : memref<64x64xf32, #tpu.memory_space<vmem>>, vector<64x64xf32>
    %max3A_49 = arith.constant 0.000000e+00 : f32
    %max3A_50 = vector.broadcast %max3A_49 : f32 to vector<64x10000xf32>
    %max3A_51 = arith.maximumf %add3A_45, %max3A_50 : vector<64x10000xf32>
    %abs3A_52 = math.absf %add3A_45 : vector<64x10000xf32>
    %neg3A_53 = arith.constant 0.000000e+00 : f32
    %neg3A_54 = vector.broadcast %neg3A_53 : f32 to vector<64x10000xf32>
    %neg3A_55 = arith.subf %neg3A_54, %abs3A_52 : vector<64x10000xf32>
    %exp3A_56 = math.exp %neg3A_55 : vector<64x10000xf32>
    %log1p3A_57 = math.log1p %exp3A_56 : vector<64x10000xf32>
    %add3A_58 = arith.addf %max3A_51, %log1p3A_57 : vector<64x10000xf32>
    %sub3A_59 = arith.constant 0.693147182 : f32
    %sub3A_60 = vector.broadcast %sub3A_59 : f32 to vector<64x10000xf32>
    %sub3A_61 = arith.subf %add3A_58, %sub3A_60 : vector<64x10000xf32>
    %dot_general3A_62 = arith.constant dense<0.000000e+00> : vector<64x10000xf32>
    %dot_general3A_63 = tpu.matmul %get3A_48, %sub3A_61, %dot_general3A_62 {dimension_numbers = #tpu.dot_dimension_numbers<[1], [0], [0], [1], [0, 0, 1, 1], [], []>, transpose_lhs_hint = false} : vector<64x64xf32>, vector<64x10000xf32>, vector<64x10000xf32> -> vector<64x10000xf32>
    %get3A_64 = arith.constant 0 : index
    %get3A_65 = arith.constant 0 : index
    %get3A_66 = vector.load %arg6[%get3A_64, %get3A_65] : memref<64x1xf32, #tpu.memory_space<vmem>>, vector<64x1xf32>
    %add3A_67 = vector.broadcast %get3A_66 : vector<64x1xf32> to vector<64x10000xf32>
    %add3A_68 = arith.addf %dot_general3A_63, %add3A_67 : vector<64x10000xf32>
    %concatenate3A = tpu.concatenate %add3A_29, %add3A_68 in 0 : vector<64x10000xf32>, vector<64x10000xf32> -> vector<128x10000xf32>
    %transpose3A = tpu.transpose %concatenate3A, [1, 0] : vector<128x10000xf32> -> vector<10000x128xf32>
    %broadcast_in_dim3A = vector.shape_cast %transpose3A : vector<10000x128xf32> to vector<1x10000x128xf32>
    %swap3A = arith.constant 0 : index
    %swap3A_69 = arith.constant 0 : index
    %swap3A_70 = arith.constant 0 : index
    %swap3A_71 = vector.load %arg7[%swap3A, %swap3A_69, %swap3A_70] : memref<1x10000x128xf32, #tpu.memory_space<vmem>>, vector<1x10000x128xf32>
    tpu.vector_store %arg7[%swap3A, %swap3A_69, %swap3A_70], %broadcast_in_dim3A {strides = array<i32>} : memref<1x10000x128xf32, #tpu.memory_space<vmem>>, vector<1x10000x128xf32>,
    return
  }
  func.func @transform_0(%arg0: i32) -> (i32, i32, i32, i32) {
    %c0_i32 = arith.constant 0 : i32
    %c0_i32_0 = arith.constant 0 : i32
    %c0_i32_1 = arith.constant 0 : i32
    %c0_i32_2 = arith.constant 0 : i32
    return %c0_i32, %arg0, %c0_i32_0, %c0_i32_1 : i32, i32, i32, i32
  }
  func.func @transform_1(%arg0: i32) -> (i32, i32, i32, i32) {
    %add3A = arith.constant 16 : i32
    %add3A_0 = arith.addi %arg0, %add3A : i32
    %c0_i32 = arith.constant 0 : i32
    %c0_i32_1 = arith.constant 0 : i32
    %c0_i32_2 = arith.constant 0 : i32
    %c0_i32_3 = arith.constant 0 : i32
    return %c0_i32, %add3A_0, %c0_i32_1, %c0_i32_2 : i32, i32, i32, i32
  }
  func.func @transform_2(%arg0: i32) -> (i32, i32) {
    %c0_i32 = arith.constant 0 : i32
    %c0_i32_0 = arith.constant 0 : i32
    %c0_i32_1 = arith.constant 0 : i32
    return %c0_i32, %c0_i32_0 : i32, i32
  }
  func.func @transform_3(%arg0: i32) -> (i32, i32) {
    %c0_i32 = arith.constant 0 : i32
    %c0_i32_0 = arith.constant 0 : i32
    %c0_i32_1 = arith.constant 0 : i32
    return %c0_i32, %c0_i32_0 : i32, i32
  }
  func.func @transform_4(%arg0: i32) -> (i32, i32) {
    %c0_i32 = arith.constant 0 : i32
    %c0_i32_0 = arith.constant 0 : i32
    %c0_i32_1 = arith.constant 0 : i32
    return %c0_i32, %c0_i32_0 : i32, i32
  }
  func.func @transform_5(%arg0: i32) -> (i32, i32) {
    %c0_i32 = arith.constant 0 : i32
    %c0_i32_0 = arith.constant 0 : i32
    %c0_i32_1 = arith.constant 0 : i32
    return %c0_i32, %c0_i32_0 : i32, i32
  }
  func.func @transform_6(%arg0: i32) -> (i32, i32, i32) {
    %c0_i32 = arith.constant 0 : i32
    %c0_i32_0 = arith.constant 0 : i32
    %c0_i32_1 = arith.constant 0 : i32
    return %arg0, %c0_i32, %c0_i32_0 : i32, i32, i32
  }
}

module attributes {stable_mosaic.version = 14 : i64} {
  func.func @_tail_body(%arg0: i32, %arg1: memref<16x400x128xf32, #tpu.memory_space<vmem>>, %arg2: memref<16x400x128xf32, #tpu.memory_space<vmem>>, %arg3: memref<128x128xf32, #tpu.memory_space<vmem>>, %arg4: memref<1x128xf32, #tpu.memory_space<vmem>>, %arg5: memref<128x128xf32, #tpu.memory_space<vmem>>, %arg6: memref<1x128xf32, #tpu.memory_space<vmem>>, %arg7: memref<400x128xf32, #tpu.memory_space<vmem>>) attributes {dimension_semantics = [#tpu.dimension_semantics<arbitrary>], iteration_bounds = array<i64: 25>, scalar_prefetch = 0 : i64, scratch_operands = 0 : i64, tpu.core_type = #tpu.core_type<tc>, window_params = [{transform_indices = @transform_0, window_bounds = array<i64: 16, 400, 128>}, {transform_indices = @transform_1, window_bounds = array<i64: 16, 400, 128>}, {pipeline_mode = #tpu.pipeline_mode<synchronous>, transform_indices = @transform_2, window_bounds = array<i64: 128, 128>}, {pipeline_mode = #tpu.pipeline_mode<synchronous>, transform_indices = @transform_3, window_bounds = array<i64: 1, 128>}, {pipeline_mode = #tpu.pipeline_mode<synchronous>, transform_indices = @transform_4, window_bounds = array<i64: 128, 128>}, {pipeline_mode = #tpu.pipeline_mode<synchronous>, transform_indices = @transform_5, window_bounds = array<i64: 1, 128>}, {transform_indices = @transform_6, window_bounds = array<i64: 400, 128>}]} {
    %get3A = arith.constant 0 : index
    %get3A_0 = arith.constant 0 : index
    %get3A_1 = arith.constant 0 : index
    %get3A_2 = vector.load %arg1[%get3A, %get3A_0, %get3A_1] : memref<16x400x128xf32, #tpu.memory_space<vmem>>, vector<16x400x128xf32>
    %get3A_3 = arith.constant 0 : index
    %get3A_4 = arith.constant 0 : index
    %get3A_5 = arith.constant 0 : index
    %get3A_6 = vector.load %arg2[%get3A_3, %get3A_4, %get3A_5] : memref<16x400x128xf32, #tpu.memory_space<vmem>>, vector<16x400x128xf32>
    %mul3A = arith.mulf %get3A_2, %get3A_6 : vector<16x400x128xf32>
    %reduce_sum3A = arith.constant dense<0.000000e+00> : vector<400x128xf32>
    %reduce_sum3A_7 = vector.multi_reduction <add>, %mul3A, %reduce_sum3A [0] : vector<16x400x128xf32> to vector<400x128xf32>
    %get3A_8 = arith.constant 0 : index
    %get3A_9 = arith.constant 0 : index
    %get3A_10 = vector.load %arg3[%get3A_8, %get3A_9] : memref<128x128xf32, #tpu.memory_space<vmem>>, vector<128x128xf32>
    %dot_general3A = arith.constant dense<0.000000e+00> : vector<400x128xf32>
    %dot_general3A_11 = tpu.matmul %reduce_sum3A_7, %get3A_10, %dot_general3A {dimension_numbers = #tpu.dot_dimension_numbers<[1], [0], [0], [1], [0, 0, 1, 1], [], []>, transpose_lhs_hint = false} : vector<400x128xf32>, vector<128x128xf32>, vector<400x128xf32> -> vector<400x128xf32>
    %get3A_12 = arith.constant 0 : index
    %get3A_13 = arith.constant 0 : index
    %get3A_14 = vector.load %arg4[%get3A_12, %get3A_13] : memref<1x128xf32, #tpu.memory_space<vmem>>, vector<1x128xf32>
    %add3A = vector.broadcast %get3A_14 : vector<1x128xf32> to vector<400x128xf32>
    %add3A_15 = arith.addf %dot_general3A_11, %add3A : vector<400x128xf32>
    %max3A = arith.constant 0.000000e+00 : f32
    %max3A_16 = vector.broadcast %max3A : f32 to vector<400x128xf32>
    %max3A_17 = arith.maximumf %add3A_15, %max3A_16 : vector<400x128xf32>
    %abs3A = math.absf %add3A_15 : vector<400x128xf32>
    %neg3A = arith.constant 0.000000e+00 : f32
    %neg3A_18 = vector.broadcast %neg3A : f32 to vector<400x128xf32>
    %neg3A_19 = arith.subf %neg3A_18, %abs3A : vector<400x128xf32>
    %exp3A = math.exp %neg3A_19 : vector<400x128xf32>
    %log1p3A = math.log1p %exp3A : vector<400x128xf32>
    %add3A_20 = arith.addf %max3A_17, %log1p3A : vector<400x128xf32>
    %sub3A = arith.constant 0.693147182 : f32
    %sub3A_21 = vector.broadcast %sub3A : f32 to vector<400x128xf32>
    %sub3A_22 = arith.subf %add3A_20, %sub3A_21 : vector<400x128xf32>
    %get3A_23 = arith.constant 0 : index
    %get3A_24 = arith.constant 0 : index
    %get3A_25 = vector.load %arg5[%get3A_23, %get3A_24] : memref<128x128xf32, #tpu.memory_space<vmem>>, vector<128x128xf32>
    %dot_general3A_26 = arith.constant dense<0.000000e+00> : vector<400x128xf32>
    %dot_general3A_27 = tpu.matmul %sub3A_22, %get3A_25, %dot_general3A_26 {dimension_numbers = #tpu.dot_dimension_numbers<[1], [0], [0], [1], [0, 0, 1, 1], [], []>, transpose_lhs_hint = false} : vector<400x128xf32>, vector<128x128xf32>, vector<400x128xf32> -> vector<400x128xf32>
    %get3A_28 = arith.constant 0 : index
    %get3A_29 = arith.constant 0 : index
    %get3A_30 = vector.load %arg6[%get3A_28, %get3A_29] : memref<1x128xf32, #tpu.memory_space<vmem>>, vector<1x128xf32>
    %add3A_31 = vector.broadcast %get3A_30 : vector<1x128xf32> to vector<400x128xf32>
    %add3A_32 = arith.addf %dot_general3A_27, %add3A_31 : vector<400x128xf32>
    %swap3A = arith.constant 0 : index
    %swap3A_33 = arith.constant 0 : index
    %swap3A_34 = vector.load %arg7[%swap3A, %swap3A_33] : memref<400x128xf32, #tpu.memory_space<vmem>>, vector<400x128xf32>
    tpu.vector_store %arg7[%swap3A, %swap3A_33], %add3A_32 {strides = array<i32>} : memref<400x128xf32, #tpu.memory_space<vmem>>, vector<400x128xf32>,
    return
  }
  func.func @transform_0(%arg0: i32) -> (i32, i32, i32) {
    %c0_i32 = arith.constant 0 : i32
    %c0_i32_0 = arith.constant 0 : i32
    %c0_i32_1 = arith.constant 0 : i32
    return %c0_i32, %arg0, %c0_i32_0 : i32, i32, i32
  }
  func.func @transform_1(%arg0: i32) -> (i32, i32, i32) {
    %c0_i32 = arith.constant 0 : i32
    %c0_i32_0 = arith.constant 0 : i32
    %c0_i32_1 = arith.constant 0 : i32
    return %c0_i32, %arg0, %c0_i32_0 : i32, i32, i32
  }
  func.func @transform_2(%arg0: i32) -> (i32, i32) {
    %c0_i32 = arith.constant 0 : i32
    %c0_i32_0 = arith.constant 0 : i32
    %c0_i32_1 = arith.constant 0 : i32
    return %c0_i32, %c0_i32_0 : i32, i32
  }
  func.func @transform_3(%arg0: i32) -> (i32, i32) {
    %c0_i32 = arith.constant 0 : i32
    %c0_i32_0 = arith.constant 0 : i32
    %c0_i32_1 = arith.constant 0 : i32
    return %c0_i32, %c0_i32_0 : i32, i32
  }
  func.func @transform_4(%arg0: i32) -> (i32, i32) {
    %c0_i32 = arith.constant 0 : i32
    %c0_i32_0 = arith.constant 0 : i32
    %c0_i32_1 = arith.constant 0 : i32
    return %c0_i32, %c0_i32_0 : i32, i32
  }
  func.func @transform_5(%arg0: i32) -> (i32, i32) {
    %c0_i32 = arith.constant 0 : i32
    %c0_i32_0 = arith.constant 0 : i32
    %c0_i32_1 = arith.constant 0 : i32
    return %c0_i32, %c0_i32_0 : i32, i32
  }
  func.func @transform_6(%arg0: i32) -> (i32, i32) {
    %c0_i32 = arith.constant 0 : i32
    %c0_i32_0 = arith.constant 0 : i32
    return %arg0, %c0_i32 : i32, i32
  }
}

</mosaic_0001>

<sc_bundles>
// kernel: kernel.6.cloned.1.call-start
scs
__scs_entry_jumppad:
0x0: {  	(pc) =	sbr.rel $0x88, $3  }
0x1: {  	(tag) =	ssettag $0x0;
	lr =	simm.s32 $0x1  }
0x2: {  	[smem:$0x3F93] =	sst lr;
	_ =	strace $0xD0000000  }
0x3: {  	_ = 	snop  }
0x4: {  	_ = 	snop  }
0x5: {  	_ = 	snop  }
0x6: {  	_ = 	snop  }
0x7: {  	_ = 	snop  }
__scs_overlays_trampoline_lowered:
0x8: {  	[smem:$0x3FA2] =	sst s0  }
0x9: {  	[smem:$0x3FA3] =	sst s1  }
0xa: {  	[smem:$0x3FA4] =	sst s2  }
0xb: {  	[smem:$0x3FA5] =	sst s3  }
0xc: {  	[smem:$0x3FA6] =	sst s4  }
0xd: {  	[smem:$0x3FA7] =	sst s5  }
0xe: {  	[smem:$0x3FA8] =	sst s6  }
0xf: {  	[smem:$0x3FA9] =	sst s7  }
0x10: {  	[smem:$0x3FAA] =	sst s8  }
0x11: {  	[smem:$0x3FAB] =	sst s9;
	s0 =	simm.s32 @!p0 $0x0  }
0x12: {  	s1 =	sld [smem:$0x3F91];
	s0 =	simm.s32 @p0 $0x1  }
0x13: {  	[smem:$0x3FAC] =	sst s0;
	s0 =	simm.s32 @!p1 $0x0  }
0x14: {  	s2 =	sld [smem:$0x3F90];
	s0 =	simm.s32 @p1 $0x1  }
0x15: {  	[smem:$0x3FAD] =	sst s0;
	s0 =	simm.s32 @!p2 $0x0  }
0x16: {  	s3 =	sld [smem:$0x3FDB];
	s0 =	simm.s32 @p2 $0x1  }
0x17: {  	s4 =	simm.s32 $0x1BF5;
	[smem:$0x3FAF] =	sst s0  }
0x18: {  	s0 =	sld [smem:$0x3F92];
	_ =	swait.ge [sflag:s4], $0x0  }
0x19: {  	s7 =	sld [smem:$0x3F93]  }
0x1a: {  	s8 =	sadd.s32 $0xFFFFE003, lr  }
0x1b: {  	s9 =	sadd.s32 $0xFFFFFEF7, lr;
	s5 =	simm.s32 $0xFFFFFFFF;
	p2 =	slt.u32 s8, $0xFFFFF086  }
0x1c: {  	p1 =	slt.u32 s9, $0xF7A;
	s5 =	simm.s32 @!p2 $0x0  }
0x1d: {  	s5 =	simm.s32 @p1 $0x1;
	p0 =	seq.s32 s7, s2  }
0x1e: {  	s7 =	smul.u32 @!p0 $0xF7A, s2;
	p2 =	seq.s32 @!p0 s5, $0x0  }
0x1f: {  	s9 =	smul.u32 $0xF7A, s1;
	s8 =	simm.s32 @!p0 $0x1BF5;
	p2 =	por !p2, p0  }
0x20: {  	[sflag:s8] =	ssyncset.s32 @!p0 $0xFFFFF086;
	s6 =	sadd.s32 @!p0 s3, s7;
	s7 =	simm.s32 @!p0 $0x108  }
0x21: {  	s3 =	sadd.s32 s3, s9;
	s6 =	sadd.s32 @!p0 $0x88, s6;
	s7 =	simm.s32 @p2 $0x1082  }
0x22: {  	[simem:s7], [sflag:s8] =	dma.local @!p0 [hbm:s6], $0xF7A  }
0x23: {  	s9 =	sor.u32 $0xD0000000, s2;
	s6 =	simm.s32 $0x108;
	_ =	swait.ge @!p0 [sflag:s8], $0x0  }
0x24: {  	s3 =	sadd.s32 $0x88, s3;
	s6 =	simm.s32 @!p1 $0x1082;
	[sflag:s4] =	ssyncset.s32 $0xFFFFF086  }
0x25: {  	[simem:s6], [sflag:s4] =	dma.local [hbm:s3], $0xF7A  }
0x26: {  	[smem:$0x3F93] =	sst s1;
	(tag) =	ssettag s2;
	_ =	strace s9  }
0x27: {  	s1 =	sld [smem:$0x3FA3]  }
0x28: {  	s2 =	sld [smem:$0x3FA4]  }
0x29: {  	s4 =	sld [smem:$0x3FA6]  }
0x2a: {  	p0 =	seq.s32 s5, $0x0;
	s5 =	sld [smem:$0x3FA7]  }
0x2b: {  	s6 =	sld [smem:$0x3FA8]  }
0x2c: {  	s7 =	sld [smem:$0x3FA9]  }
0x2d: {  	s3 =	simm.s32 $0x108;
	s8 =	sld [smem:$0x3FAA]  }
0x2e: {  	s3 =	simm.s32 @!p0 $0x1082;
	s9 =	sld [smem:$0x3FAB]  }
0x2f: {  	lr =	sadd.s32 s0, s3;
	s0 =	sld [smem:$0x3FA2]  }
0x30: {  	s3 =	sld [smem:$0x3FA5]  }
0x31: {  	[smem:$0x3FAE] =	sst s10  }
0x32: {  	s10 =	sld [smem:$0x3FAC];
	_ =	sdelay $0x3  }
0x33: {  	p0 =	seq.s32 s10, $0x1;
	s10 =	sld [smem:$0x3FAE];
	_ =	sdelay $0x3  }
0x34: {  	[smem:$0x3FAE] =	sst s10  }
0x35: {  	s10 =	sld [smem:$0x3FAD];
	_ =	sdelay $0x3  }
0x36: {  	p1 =	seq.s32 s10, $0x1;
	s10 =	sld [smem:$0x3FAE];
	_ =	sdelay $0x3  }
0x37: {  	[smem:$0x3FAE] =	sst s10  }
0x38: {  	s10 =	sld [smem:$0x3FAF]  }
0x39: {  	_ = 	snop;
	(pc) =	sbr.ind lr, $3  }
0x3a: {  	_ = 	snop  }
0x3b: {  	_ = 	snop  }
0x3c: {  	p2 =	seq.s32 s10, $0x1;
	s10 =	sld [smem:$0x3FAE]  }
0x3d: {  	_ =	shalt  }
0x3e: {  	_ =	shalt  }
0x3f: {  	_ =	shalt  }
0x40: {  	_ =	shalt  }
0x41: {  	_ =	shalt  }
0x42: {  	_ =	shalt  }
0x43: {  	_ =	shalt  }
0x44: {  	_ =	shalt  }
0x45: {  	_ =	shalt  }
0x46: {  	_ =	shalt  }
0x47: {  	_ =	shalt  }
0x48: {  	_ =	shalt  }
0x49: {  	_ =	shalt  }
0x4a: {  	_ =	shalt  }
0x4b: {  	_ =	shalt  }
0x4c: {  	_ =	shalt  }
0x4d: {  	_ =	shalt  }
0x4e: {  	_ =	shalt  }
0x4f: {  	_ =	shalt  }
0x50: {  	_ =	shalt  }
0x51: {  	_ =	shalt  }
0x52: {  	_ =	shalt  }
0x53: {  	_ =	shalt  }
0x54: {  	_ =	shalt  }
0x55: {  	_ =	shalt  }
0x56: {  	_ =	shalt  }
0x57: {  	_ =	shalt  }
0x58: {  	_ =	shalt  }
0x59: {  	_ =	shalt  }
0x5a: {  	_ =	shalt  }
0x5b: {  	_ =	shalt  }
0x5c: {  	_ =	shalt  }
0x5d: {  	_ =	shalt  }
0x5e: {  	_ =	shalt  }
0x5f: {  	_ =	shalt  }
0x60: {  	_ =	shalt  }
0x61: {  	_ =	shalt  }
0x62: {  	_ =	shalt  }
0x63: {  	_ =	shalt  }
0x64: {  	_ =	shalt  }
0x65: {  	_ =	shalt  }
0x66: {  	_ =	shalt  }
0x67: {  	_ =	shalt  }
0x68: {  	_ =	shalt  }
0x69: {  	_ =	shalt  }
0x6a: {  	_ =	shalt  }
0x6b: {  	_ =	shalt  }
0x6c: {  	_ =	shalt  }
0x6d: {  	_ =	shalt  }
0x6e: {  	_ =	shalt  }
0x6f: {  	_ =	shalt  }
0x70: {  	_ =	shalt  }
0x71: {  	_ =	shalt  }
0x72: {  	_ =	shalt  }
0x73: {  	_ =	shalt  }
0x74: {  	_ =	shalt  }
0x75: {  	_ =	shalt  }
0x76: {  	_ =	shalt  }
0x77: {  	_ =	shalt  }
0x78: {  	_ =	shalt  }
0x79: {  	_ =	shalt  }
0x7a: {  	_ =	shalt  }
0x7b: {  	_ =	shalt  }
0x7c: {  	_ =	shalt  }
0x7d: {  	_ =	shalt  }
0x7e: {  	_ =	shalt  }
0x7f: {  	_ =	shalt  }
0x80: {  	_ =	shalt  }
0x81: {  	_ =	shalt  }
0x82: {  	_ =	shalt  }
0x83: {  	_ =	shalt  }
0x84: {  	_ =	shalt  }
0x85: {  	_ =	shalt  }
0x86: {  	_ =	shalt  }
0x87: {  	_ =	shalt  }
.Lfunc_end0:
.L_simem_size_0:
called_computation_lowered:
.L_overlay_start_0:
0x88: {  	s2 =	sld [smem:$0x3FD9]  }
0x89: {  	s3 =	sld [smem:$0x3FFE];
	_ =	sdelay $0x1  }
0x8a: {  	s1 =	srdreg.scid  }
0x8b: {  	s0 =	sand.u32 $0x1, s1  }
0x8c: {  	s17 =	sshll.u32 s0, $0xA;
	s2 =	sadd.s32 s3, s2  }
0x8d: {  	s2 =	sadd.s32 s2, s17  }
0x8e: {  	[smem:$0x3FBA] =	sst s2  }
0x8f: {  	_ = 	snop  }
0x90: {  	s2 =	sld [smem:$0x3FD0];
	(tm) =	ssettm $0x1  }
0x91: {  	s18 =	sld [smem:$0x3FFB];
	_ =	sdelay $0x3  }
0x92: {  	_ =	strace s18  }
0x93: {  	s3 =	sld [smem:$0x3FFC];
	_ =	sdelay $0x3  }
0x94: {  	_ =	strace s3  }
0x95: {  	s3 =	sld [smem:$0x3FFD];
	_ =	sdelay $0x3  }
0x96: {  	_ =	strace s3  }
0x97: {  	_ =	strace $0x8FFFFFFF  }
0x98: {  	s19 =	sld [smem:$0x3FDB];
	_ =	sdelay $0x1  }
0x99: {  	s4 =	simm.s32 $_scs_section_size  }
0x9a: {  	s5 =	simm.s32 $_size__tile_overlayer_lowered;
	s6 =	simm.s32 $_tile_overlayer_lowered  }
0x9b: {  	s22 =	simm.s32 $0x1BFF;
	s21 =	sshll.u32 s6, $0x1;
	s3 =	sadd.s32 s4, s19  }
0x9c: {  	s7 =	simm.s32 $0x0;
	s20 =	sshll.u32 s5, $0x1;
	s5 =	sadd.s32 s21, s3  }
0x9d: {  	[timem:s7], [sflag:s22] =	dma.local [hbm:s5], s20  }
0x9e: {  	_ =	swait.ge [sflag:s22], s20  }
0x9f: {  	s4 =	ssub.s32 $0x0, s20;
	[sflag:s22] =	ssyncset.done $0x0  }
0xa0: {  	[sflag:s22] =	ssyncadd.s32 s4;
	_ =	sdelay $0x1  }
0xa1: {  	s23 =	simm.s32 $0x1B8B  }
0xa2: {  	_ =	swait.ge [sflag:s23], $0x1  }
0xa3: {  	[sflag:s23] =	ssyncset.done $0x0  }
0xa4: {  	s25 =	simm.s32 $0x1B8E;
	s24 =	sld [smem:$0x3FFE];
	[sflag:s23] =	ssyncadd.s32 $0xFFFFFFFF  }
0xa5: {  	s26 =	simm.s32 $execute0_lowered;
	[smem:$0x3FD2] =	sst s25  }
0xa6: {  	s5 =	sshll.u32 s26, $0x1;
	_ =	strace $0x80000046;
	[dreg:$0x1] =	wrdreg $0xFFFFFFFF  }
0xa7: {  	s28 =	simm.s32 $_size_execute0_lowered;
	s3 =	sadd.s32 s3, s5;
	[dreg:$0x0] =	wrdreg $0x0  }
0xa8: {  	s5 =	sshll.u32 s28, $0x1;
	[dreg:$0x2] =	wrdreg s3  }
0xa9: {  	[dreg:$0x3] =	wrdreg s5  }
0xaa: {  	[dreg:$0x4] =	wrdreg $0xC0  }
0xab: {  	_ =	task [dreg:s7], $0x5FFFF  }
0xac: {  	[dreg:$0x1] =	wrdreg $0xFFFFFFFF  }
0xad: {  	[dreg:$0x0] =	wrdreg $0x60  }
0xae: {  	[dreg:$0x2] =	wrdreg s2  }
0xaf: {  	[dreg:$0x3] =	wrdreg s24  }
0xb0: {  	[dreg:$0x4] =	wrdreg $0x9  }
0xb1: {  	_ =	task.clear_ibuf [dreg:s7], $0x5FFFF;
	_ =	strace $0x90000046  }
0xb2: {  	s29 =	simm.s32 $0x9;
	_ =	strace $0x80000048  }
0xb3: {  	_ =	swait.ge [sflag:s29], $0x1  }
0xb4: {  	[sflag:s29] =	ssyncadd.s32 $0xFFFFFFFF  }
0xb5: {  	_ =	strace $0x90000048  }
0xb6: {  	_ =	sfence  }
0xb7: {  	s30 =	sld [smem:$0x0];
	_ =	sdelay $0x2  }
0xb8: {  	s31 =	sshll.u32 s1, $0xD;
	s1 =	sshrl.u32 s1, $0x2  }
0xb9: {  	s3 =	sand.u32 $0x4000, s31;
	s1 =	sadd.s32 s1, s30  }
0xba: {  	s0 =	sor.u32 s3, s0;
	s1 =	sshll.u32 s1, $0x11  }
0xbb: {  	s0 =	sor.u32 s1, s0  }
0xbc: {  	s0 =	sadd.s32 $0x8F2B, s0  }
0xbd: {  	[sflag:s0] =	ssyncadd.remote.s32 $0x1  }
0xbe: {  	_ =	sfence.sel $0xFFFF  }
0xbf: {  	[dreg:$0x0] =	wrdreg $0xFFFFFFFF;
	(pc) =	sbr.abs _section_cstart, $3  }
0xc0: {  	[dreg:$0x1] =	wrdreg $0xFFFFFFFF  }
0xc1: {  	_ =	task.clear_ibuf [dreg:s7], $0x2FFFF;
	_ =	strace $0x9FFFFFFF  }
0xc2: {  	(tm) =	ssettm $0x7FFFFFFF  }
0xc3: {  	_ =	shalt  }
tec
execute0_lowered:
.L_overlay_start_1:
0x0: {  	(tag) =	ssettag $0x1  }
0x1: {  	s0 =	srdreg.scid;
	s10 =	stileid.u32  }
0x2: {  	s1 =	sand.u32 $0x1, s0;
	s9 =	sshll.u32 s10, $0x1  }
0x3: {  	s0 =	sor.u32 s1, s9  }
0x4: {  	s3 =	sand.u32 $0xF, s0;
	s0 =	smul.u32 $0x4E2, s0  }
0x5: {  	s2 =	rddreg [dreg:$0x0];
	s4 =	sshll.u32 s10, $0x3;
	s3 =	smul.u32 $0x138800, s3  }
0x6: {  	s5 =	rddreg [dreg:$0x1];
	s4 =	sand.u32 $0x40, s4  }
0x7: {  	s25 =	simm.s32 $0x0;
	s0 =	sadd.s32 s0, s5;
	s3 =	sor.u32 s4, s3  }
0x8: {  	[smem:$0x7FF] =	sst s25;
	s0 =	sadd.s32 $0x2A00, s0;
	s3 =	sshrl.u32 s3, $0x3  }
0x9: {  	_ =	strace $0x80000047;
	[dreg:$0x3] =	wrdreg s0;
	s3 =	sadd.s32 s3, s5  }
0xa: {  	s0 =	rddreg [dreg:$0x3];
	s11 =	sadd.s32 $0xC800, s3  }
0xb: {  	s12 =	sadd.s32 $0xE100, s3;
	[dreg:$0x4] =	wrdreg s11  }
0xc: {  	s13 =	sadd.s32 $0xFA00, s3;
	[dreg:$0x5] =	wrdreg s12  }
0xd: {  	s14 =	sadd.s32 $0x11300, s3;
	[dreg:$0x6] =	wrdreg s13  }
0xe: {  	s15 =	sadd.s32 $0x12C00, s3;
	[dreg:$0x7] =	wrdreg s14  }
0xf: {  	s16 =	sadd.s32 $0x14500, s3;
	[dreg:$0x8] =	wrdreg s15  }
0x10: {  	s17 =	sadd.s32 $0x15E00, s3;
	[dreg:$0x9] =	wrdreg s16  }
0x11: {  	s18 =	sadd.s32 $0x17700, s3;
	[dreg:$0xa] =	wrdreg s17  }
0x12: {  	s19 =	sadd.s32 $0x19000, s3;
	[dreg:$0xb] =	wrdreg s18  }
0x13: {  	s20 =	sadd.s32 $0x1A900, s3;
	[dreg:$0xc] =	wrdreg s19  }
0x14: {  	s21 =	sadd.s32 $0x1C200, s3;
	[dreg:$0xd] =	wrdreg s20  }
0x15: {  	s22 =	sadd.s32 $0x1DB00, s3;
	[dreg:$0xe] =	wrdreg s21  }
0x16: {  	s23 =	sadd.s32 $0x1F400, s3;
	[dreg:$0xf] =	wrdreg s22  }
0x17: {  	s24 =	sadd.s32 $0x20D00, s3;
	[dreg:$0x10] =	wrdreg s23  }
0x18: {  	s26 =	sadd.s32 $0x22600, s3;
	[dreg:$0x11] =	wrdreg s24  }
0x19: {  	s31 =	simm.s32 $0x3;
	s4 =	sadd.s32 $0x23F00, s3;
	[dreg:$0x12] =	wrdreg s26  }
0x1a: {  	s30 =	simm.s32 $0xAF0;
	s5 =	sadd.s32 $0x25800, s3;
	[dreg:$0x13] =	wrdreg s4  }
0x1b: {  	s29 =	simm.s32 $0xC80;
	s6 =	sadd.s32 $0x27100, s3;
	[dreg:$0x14] =	wrdreg s5  }
0x1c: {  	s28 =	simm.s32 $0xE10;
	s7 =	sadd.s32 $0x28A00, s3;
	[dreg:$0x15] =	wrdreg s6  }
0x1d: {  	p0 =	por $0x0, $0x0;
	s8 =	sadd.s32 $0x2A300, s3;
	[dreg:$0x16] =	wrdreg s7  }
0x1e: {  	s1 =	ssub.s32 $0x2, s1;
	s9 =	sadd.s32 $0x2BC00, s3;
	[dreg:$0x17] =	wrdreg s8  }
0x1f: {  	[dreg:$0x18] =	wrdreg s9;
	s11 =	sadd.s32 $0x2D500, s3;
	s12 =	sadd.s32 $0x2EE00, s3  }
0x20: {  	s13 =	sshrl.u32 s1, $0x1;
	s14 =	sadd.s32 $0x30700, s3;
	s15 =	sadd.s32 $0x32000, s3  }
0x21: {  	s8 =	simm.s32 $0x190;
	s3 =	simm.s32 $0x2710;
	s5 =	simm.s32 $0x1  }
0x22: {  	s9 =	simm.s32 $0x8B10;
	s22 =	simm.s32 $0x320;
	s4 =	simm.s32 $0x40  }
0x23: {  	s23 =	simm.s32 $0x4B0;
	s6 =	simm.s32 $0x80;
	[dreg:$0x19] =	wrdreg s11  }
0x24: {  	s24 =	simm.s32 $0x640;
	s7 =	simm.s32 $0x2;
	[dreg:$0x1a] =	wrdreg s12  }
0x25: {  	s26 =	simm.s32 $0x7D0;
	s21 =	simm.s32 $0x15E0;
	[dreg:$0x1b] =	wrdreg s14  }
0x26: {  	s20 =	simm.s32 $0x1770;
	s1 =	ssub.s32 s1, s13;
	[dreg:$0x1c] =	wrdreg s15  }
0x27: {  	s19 =	simm.s32 $0x1900;
	[dreg:$0x1d] =	wrdreg s22;
	s16 =	smax.u32 s1, $0x1  }
0x28: {  	s18 =	simm.s32 $0x1A90;
	[dreg:$0x1e] =	wrdreg s23;
	p1 =	sne.s32 s16, $0x1  }
.Ltmp0:
0x29: {  	s17 =	simm.s32 $0x1C20;
	[dreg:$0x1f] =	wrdreg s24;
	(pc) =	sbr.rel @!p1 .LBB2_1-.Ltmp0, $4  }
0x2a: {  	[smem:$0x7FD] =	sst s26;
	s26 =	simm.s32 $0xFA0;
	s24 =	simm.s32 $0x1130  }
0x2b: {  	s23 =	simm.s32 $0x12C0;
	s22 =	simm.s32 $0x1450;
	s15 =	simm.s32 $0x1F40  }
0x2c: {  	s14 =	simm.s32 $0x20D0;
	s13 =	simm.s32 $0x2260;
	s12 =	simm.s32 $0x23F0  }
0x2d: {  	s11 =	simm.s32 $0x2580;
	s1 =	sadd.s32 $0xFFFFFFFF, s16;
	s16 =	simm.s32 $0x1DB0  }
0x2e: {  	[tilespmem:s25], [sflag:$0x3] =	stream.linear.gather [hbm4b:s0+s25], $0x2710, $0x38;
	[tilespmem:$0xEF10] =	vst v63  }
0x2f: {  	_ =	swait.ge [sflag:s31], $0x2710  }
0x30: {  	[sflag:s31] =	ssyncset.done $0x0  }
0x31: {  	[sflag:s31] =	ssyncadd.s32 $0xFFFFD8F0  }
0x32: {  	[tilespmem:s3], [sflag:$0x1] =	stream.indirect.gather [hbm4b:s2+s8], $0x40, s25, s8, $0xb8;
	[tilespmem:$0xEF10] =	vst v63  }
0x33: {  	_ =	swait.ge [sflag:s5], $0x6400  }
0x34: {  	[sflag:s5] =	ssyncset.done $0x0  }
0x35: {  	[sflag:s5] =	ssyncadd.s32 $0xFFFF9C00  }
0x36: {  	[tilespmem:s9], [sflag:$0x1] =	stream.indirect.gather [hbm4b:s2+s8], $0x40, s8, s8, $0xb8;
	[tilespmem:$0xEF10] =	vst v63  }
0x37: {  	s10 =	rddreg [dreg:$0x4]  }
0x38: {  	[hbm4b:s10+s4] =	stream.strided.scatter [tilespmem:s3], [sflag:$0x2], $0x6400, s6, s4, $0x38;
	[tilespmem:$0xEF10] =	vst v63  }
0x39: {  	_ =	swait.ge [sflag:s5], $0x6400  }
0x3a: {  	[sflag:s5] =	ssyncset.done $0x0  }
0x3b: {  	[sflag:s5] =	ssyncadd.s32 $0xFFFF9C00  }
0x3c: {  	_ =	swait.ge [sflag:s7], $0x6400  }
0x3d: {  	[sflag:s7] =	ssyncset.done $0x0  }
0x3e: {  	s0 =	rddreg [dreg:$0x1d];
	[sflag:s7] =	ssyncadd.s32 $0xFFFF9C00  }
0x3f: {  	[tilespmem:s3], [sflag:$0x1] =	stream.indirect.gather [hbm4b:s2+s8], $0x40, s0, s8, $0xb8;
	[tilespmem:$0xEF10] =	vst v63  }
0x40: {  	s10 =	smov.u32 s1;
	s1 =	rddreg [dreg:$0x5]  }
0x41: {  	[hbm4b:s1+s4] =	stream.strided.scatter [tilespmem:s9], [sflag:$0x2], $0x6400, s6, s4, $0x38;
	[tilespmem:$0xEF10] =	vst v63  }
0x42: {  	_ =	swait.ge [sflag:s5], $0x6400  }
0x43: {  	[sflag:s5] =	ssyncset.done $0x0  }
0x44: {  	[sflag:s5] =	ssyncadd.s32 $0xFFFF9C00  }
0x45: {  	_ =	swait.ge [sflag:s7], $0x6400  }
0x46: {  	[sflag:s7] =	ssyncset.done $0x0  }
0x47: {  	s0 =	rddreg [dreg:$0x1e];
	[sflag:s7] =	ssyncadd.s32 $0xFFFF9C00  }
0x48: {  	[tilespmem:s9], [sflag:$0x1] =	stream.indirect.gather [hbm4b:s2+s8], $0x40, s0, s8, $0xb8;
	[tilespmem:$0xEF10] =	vst v63  }
0x49: {  	s1 =	rddreg [dreg:$0x6]  }
0x4a: {  	[hbm4b:s1+s4] =	stream.strided.scatter [tilespmem:s3], [sflag:$0x2], $0x6400, s6, s4, $0x38;
	[tilespmem:$0xEF10] =	vst v63  }
0x4b: {  	_ =	swait.ge [sflag:s5], $0x6400  }
0x4c: {  	[sflag:s5] =	ssyncset.done $0x0  }
0x4d: {  	[sflag:s5] =	ssyncadd.s32 $0xFFFF9C00  }
0x4e: {  	_ =	swait.ge [sflag:s7], $0x6400  }
0x4f: {  	[sflag:s7] =	ssyncset.done $0x0  }
0x50: {  	s0 =	rddreg [dreg:$0x1f];
	[sflag:s7] =	ssyncadd.s32 $0xFFFF9C00  }
0x51: {  	[tilespmem:s3], [sflag:$0x1] =	stream.indirect.gather [hbm4b:s2+s8], $0x40, s0, s8, $0xb8;
	[tilespmem:$0xEF10] =	vst v63  }
0x52: {  	s1 =	rddreg [dreg:$0x7]  }
0x53: {  	[hbm4b:s1+s4] =	stream.strided.scatter [tilespmem:s9], [sflag:$0x2], $0x6400, s6, s4, $0x38;
	[tilespmem:$0xEF10] =	vst v63  }
0x54: {  	_ =	swait.ge [sflag:s5], $0x6400  }
0x55: {  	[sflag:s5] =	ssyncset.done $0x0  }
0x56: {  	[sflag:s5] =	ssyncadd.s32 $0xFFFF9C00  }
0x57: {  	_ =	swait.ge [sflag:s7], $0x6400  }
0x58: {  	s0 =	sld [smem:$0x7FD]  }
0x59: {  	[sflag:s7] =	ssyncset.done $0x0  }
0x5a: {  	[sflag:s7] =	ssyncadd.s32 $0xFFFF9C00  }
0x5b: {  	[tilespmem:s9], [sflag:$0x1] =	stream.indirect.gather [hbm4b:s2+s8], $0x40, s0, s8, $0xb8;
	[tilespmem:$0xEF10] =	vst v63  }
0x5c: {  	s1 =	rddreg [dreg:$0x8]  }
0x5d: {  	[hbm4b:s1+s4] =	stream.strided.scatter [tilespmem:s3], [sflag:$0x2], $0x6400, s6, s4, $0x38;
	[tilespmem:$0xEF10] =	vst v63  }
0x5e: {  	_ =	swait.ge [sflag:s5], $0x6400  }
0x5f: {  	[sflag:s5] =	ssyncset.done $0x0  }
0x60: {  	[sflag:s5] =	ssyncadd.s32 $0xFFFF9C00  }
0x61: {  	_ =	swait.ge [sflag:s7], $0x6400  }
0x62: {  	[sflag:s7] =	ssyncset.done $0x0  }
0x63: {  	s1 =	simm.s32 $0x960;
	[sflag:s7] =	ssyncadd.s32 $0xFFFF9C00  }
0x64: {  	[tilespmem:s3], [sflag:$0x1] =	stream.indirect.gather [hbm4b:s2+s8], $0x40, s1, s8, $0xb8;
	[tilespmem:$0xEF10] =	vst v63  }
0x65: {  	s0 =	rddreg [dreg:$0x9]  }
0x66: {  	[hbm4b:s0+s4] =	stream.strided.scatter [tilespmem:s9], [sflag:$0x2], $0x6400, s6, s4, $0x38;
	[tilespmem:$0xEF10] =	vst v63  }
0x67: {  	_ =	swait.ge [sflag:s5], $0x6400  }
0x68: {  	[sflag:s5] =	ssyncset.done $0x0  }
0x69: {  	[sflag:s5] =	ssyncadd.s32 $0xFFFF9C00  }
0x6a: {  	_ =	swait.ge [sflag:s7], $0x6400  }
0x6b: {  	[sflag:s7] =	ssyncset.done $0x0  }
0x6c: {  	[sflag:s7] =	ssyncadd.s32 $0xFFFF9C00  }
0x6d: {  	[tilespmem:s9], [sflag:$0x1] =	stream.indirect.gather [hbm4b:s2+s8], $0x40, s30, s8, $0xb8;
	[tilespmem:$0xEF10] =	vst v63  }
0x6e: {  	s1 =	rddreg [dreg:$0xa]  }
0x6f: {  	[hbm4b:s1+s4] =	stream.strided.scatter [tilespmem:s3], [sflag:$0x2], $0x6400, s6, s4, $0x38;
	[tilespmem:$0xEF10] =	vst v63  }
0x70: {  	_ =	swait.ge [sflag:s5], $0x6400  }
0x71: {  	[sflag:s5] =	ssyncset.done $0x0  }
0x72: {  	[sflag:s5] =	ssyncadd.s32 $0xFFFF9C00  }
0x73: {  	_ =	swait.ge [sflag:s7], $0x6400  }
0x74: {  	[sflag:s7] =	ssyncset.done $0x0  }
0x75: {  	[sflag:s7] =	ssyncadd.s32 $0xFFFF9C00  }
0x76: {  	[tilespmem:s3], [sflag:$0x1] =	stream.indirect.gather [hbm4b:s2+s8], $0x40, s29, s8, $0xb8;
	[tilespmem:$0xEF10] =	vst v63  }
0x77: {  	s1 =	rddreg [dreg:$0xb]  }
0x78: {  	[hbm4b:s1+s4] =	stream.strided.scatter [tilespmem:s9], [sflag:$0x2], $0x6400, s6, s4, $0x38;
	[tilespmem:$0xEF10] =	vst v63  }
0x79: {  	_ =	swait.ge [sflag:s5], $0x6400  }
0x7a: {  	[sflag:s5] =	ssyncset.done $0x0  }
0x7b: {  	[sflag:s5] =	ssyncadd.s32 $0xFFFF9C00  }
0x7c: {  	_ =	swait.ge [sflag:s7], $0x6400  }
0x7d: {  	[sflag:s7] =	ssyncset.done $0x0  }
0x7e: {  	[sflag:s7] =	ssyncadd.s32 $0xFFFF9C00  }
0x7f: {  	[tilespmem:s9], [sflag:$0x1] =	stream.indirect.gather [hbm4b:s2+s8], $0x40, s28, s8, $0xb8;
	[tilespmem:$0xEF10] =	vst v63  }
0x80: {  	s1 =	rddreg [dreg:$0xc]  }
0x81: {  	[hbm4b:s1+s4] =	stream.strided.scatter [tilespmem:s3], [sflag:$0x2], $0x6400, s6, s4, $0x38;
	[tilespmem:$0xEF10] =	vst v63  }
0x82: {  	_ =	swait.ge [sflag:s5], $0x6400  }
0x83: {  	[sflag:s5] =	ssyncset.done $0x0  }
0x84: {  	[sflag:s5] =	ssyncadd.s32 $0xFFFF9C00  }
0x85: {  	_ =	swait.ge [sflag:s7], $0x6400  }
0x86: {  	[sflag:s7] =	ssyncset.done $0x0  }
0x87: {  	[sflag:s7] =	ssyncadd.s32 $0xFFFF9C00  }
0x88: {  	[tilespmem:s3], [sflag:$0x1] =	stream.indirect.gather [hbm4b:s2+s8], $0x40, s26, s8, $0xb8;
	[tilespmem:$0xEF10] =	vst v63  }
0x89: {  	s1 =	rddreg [dreg:$0xd]  }
0x8a: {  	[hbm4b:s1+s4] =	stream.strided.scatter [tilespmem:s9], [sflag:$0x2], $0x6400, s6, s4, $0x38;
	[tilespmem:$0xEF10] =	vst v63  }
0x8b: {  	_ =	swait.ge [sflag:s5], $0x6400  }
0x8c: {  	[sflag:s5] =	ssyncset.done $0x0  }
0x8d: {  	[sflag:s5] =	ssyncadd.s32 $0xFFFF9C00  }
0x8e: {  	_ =	swait.ge [sflag:s7], $0x6400  }
0x8f: {  	[sflag:s7] =	ssyncset.done $0x0  }
0x90: {  	[sflag:s7] =	ssyncadd.s32 $0xFFFF9C00  }
0x91: {  	[tilespmem:s9], [sflag:$0x1] =	stream.indirect.gather [hbm4b:s2+s8], $0x40, s24, s8, $0xb8;
	[tilespmem:$0xEF10] =	vst v63  }
0x92: {  	s1 =	rddreg [dreg:$0xe]  }
0x93: {  	[hbm4b:s1+s4] =	stream.strided.scatter [tilespmem:s3], [sflag:$0x2], $0x6400, s6, s4, $0x38;
	[tilespmem:$0xEF10] =	vst v63  }
0x94: {  	_ =	swait.ge [sflag:s5], $0x6400  }
0x95: {  	[sflag:s5] =	ssyncset.done $0x0  }
0x96: {  	[sflag:s5] =	ssyncadd.s32 $0xFFFF9C00  }
0x97: {  	_ =	swait.ge [sflag:s7], $0x6400  }
0x98: {  	[sflag:s7] =	ssyncset.done $0x0  }
0x99: {  	[sflag:s7] =	ssyncadd.s32 $0xFFFF9C00  }
0x9a: {  	[tilespmem:s3], [sflag:$0x1] =	stream.indirect.gather [hbm4b:s2+s8], $0x40, s23, s8, $0xb8;
	[tilespmem:$0xEF10] =	vst v63  }
0x9b: {  	s1 =	rddreg [dreg:$0xf]  }
0x9c: {  	[hbm4b:s1+s4] =	stream.strided.scatter [tilespmem:s9], [sflag:$0x2], $0x6400, s6, s4, $0x38;
	[tilespmem:$0xEF10] =	vst v63  }
0x9d: {  	_ =	swait.ge [sflag:s5], $0x6400  }
0x9e: {  	[sflag:s5] =	ssyncset.done $0x0  }
0x9f: {  	[sflag:s5] =	ssyncadd.s32 $0xFFFF9C00  }
0xa0: {  	_ =	swait.ge [sflag:s7], $0x6400  }
0xa1: {  	[sflag:s7] =	ssyncset.done $0x0  }
0xa2: {  	[sflag:s7] =	ssyncadd.s32 $0xFFFF9C00  }
0xa3: {  	[tilespmem:s9], [sflag:$0x1] =	stream.indirect.gather [hbm4b:s2+s8], $0x40, s22, s8, $0xb8;
	[tilespmem:$0xEF10] =	vst v63  }
0xa4: {  	s1 =	rddreg [dreg:$0x10]  }
0xa5: {  	[hbm4b:s1+s4] =	stream.strided.scatter [tilespmem:s3], [sflag:$0x2], $0x6400, s6, s4, $0x38;
	[tilespmem:$0xEF10] =	vst v63  }
0xa6: {  	_ =	swait.ge [sflag:s5], $0x6400  }
0xa7: {  	[sflag:s5] =	ssyncset.done $0x0  }
0xa8: {  	[sflag:s5] =	ssyncadd.s32 $0xFFFF9C00  }
0xa9: {  	_ =	swait.ge [sflag:s7], $0x6400  }
0xaa: {  	[sflag:s7] =	ssyncset.done $0x0  }
0xab: {  	[sflag:s7] =	ssyncadd.s32 $0xFFFF9C00  }
0xac: {  	[tilespmem:s3], [sflag:$0x1] =	stream.indirect.gather [hbm4b:s2+s8], $0x40, s21, s8, $0xb8;
	[tilespmem:$0xEF10] =	vst v63  }
0xad: {  	s1 =	rddreg [dreg:$0x11]  }
0xae: {  	[hbm4b:s1+s4] =	stream.strided.scatter [tilespmem:s9], [sflag:$0x2], $0x6400, s6, s4, $0x38;
	[tilespmem:$0xEF10] =	vst v63  }
0xaf: {  	_ =	swait.ge [sflag:s5], $0x6400  }
0xb0: {  	[sflag:s5] =	ssyncset.done $0x0  }
0xb1: {  	[sflag:s5] =	ssyncadd.s32 $0xFFFF9C00  }
0xb2: {  	_ =	swait.ge [sflag:s7], $0x6400  }
0xb3: {  	[sflag:s7] =	ssyncset.done $0x0  }
0xb4: {  	[sflag:s7] =	ssyncadd.s32 $0xFFFF9C00  }
0xb5: {  	[tilespmem:s9], [sflag:$0x1] =	stream.indirect.gather [hbm4b:s2+s8], $0x40, s20, s8, $0xb8;
	[tilespmem:$0xEF10] =	vst v63  }
0xb6: {  	s1 =	rddreg [dreg:$0x12]  }
0xb7: {  	[hbm4b:s1+s4] =	stream.strided.scatter [tilespmem:s3], [sflag:$0x2], $0x6400, s6, s4, $0x38;
	[tilespmem:$0xEF10] =	vst v63  }
0xb8: {  	_ =	swait.ge [sflag:s5], $0x6400  }
0xb9: {  	[sflag:s5] =	ssyncset.done $0x0  }
0xba: {  	[sflag:s5] =	ssyncadd.s32 $0xFFFF9C00  }
0xbb: {  	_ =	swait.ge [sflag:s7], $0x6400  }
0xbc: {  	[sflag:s7] =	ssyncset.done $0x0  }
0xbd: {  	[sflag:s7] =	ssyncadd.s32 $0xFFFF9C00  }
0xbe: {  	[tilespmem:s3], [sflag:$0x1] =	stream.indirect.gather [hbm4b:s2+s8], $0x40, s19, s8, $0xb8;
	[tilespmem:$0xEF10] =	vst v63  }
0xbf: {  	s1 =	rddreg [dreg:$0x13]  }
0xc0: {  	[hbm4b:s1+s4] =	stream.strided.scatter [tilespmem:s9], [sflag:$0x2], $0x6400, s6, s4, $0x38;
	[tilespmem:$0xEF10] =	vst v63  }
0xc1: {  	_ =	swait.ge [sflag:s5], $0x6400  }
0xc2: {  	[sflag:s5] =	ssyncset.done $0x0  }
0xc3: {  	[sflag:s5] =	ssyncadd.s32 $0xFFFF9C00  }
0xc4: {  	_ =	swait.ge [sflag:s7], $0x6400  }
0xc5: {  	[sflag:s7] =	ssyncset.done $0x0  }
0xc6: {  	[sflag:s7] =	ssyncadd.s32 $0xFFFF9C00  }
0xc7: {  	[tilespmem:s9], [sflag:$0x1] =	stream.indirect.gather [hbm4b:s2+s8], $0x40, s18, s8, $0xb8;
	[tilespmem:$0xEF10] =	vst v63  }
0xc8: {  	s1 =	rddreg [dreg:$0x14]  }
0xc9: {  	[hbm4b:s1+s4] =	stream.strided.scatter [tilespmem:s3], [sflag:$0x2], $0x6400, s6, s4, $0x38;
	[tilespmem:$0xEF10] =	vst v63  }
0xca: {  	_ =	swait.ge [sflag:s5], $0x6400  }
0xcb: {  	[sflag:s5] =	ssyncset.done $0x0  }
0xcc: {  	[sflag:s5] =	ssyncadd.s32 $0xFFFF9C00  }
0xcd: {  	_ =	swait.ge [sflag:s7], $0x6400  }
0xce: {  	[sflag:s7] =	ssyncset.done $0x0  }
0xcf: {  	[sflag:s7] =	ssyncadd.s32 $0xFFFF9C00  }
0xd0: {  	[tilespmem:s3], [sflag:$0x1] =	stream.indirect.gather [hbm4b:s2+s8], $0x40, s17, s8, $0xb8;
	[tilespmem:$0xEF10] =	vst v63  }
0xd1: {  	s1 =	rddreg [dreg:$0x15]  }
0xd2: {  	[hbm4b:s1+s4] =	stream.strided.scatter [tilespmem:s9], [sflag:$0x2], $0x6400, s6, s4, $0x38;
	[tilespmem:$0xEF10] =	vst v63  }
0xd3: {  	_ =	swait.ge [sflag:s5], $0x6400  }
0xd4: {  	[sflag:s5] =	ssyncset.done $0x0  }
0xd5: {  	[sflag:s5] =	ssyncadd.s32 $0xFFFF9C00  }
0xd6: {  	_ =	swait.ge [sflag:s7], $0x6400  }
0xd7: {  	[sflag:s7] =	ssyncset.done $0x0  }
0xd8: {  	[sflag:s7] =	ssyncadd.s32 $0xFFFF9C00  }
0xd9: {  	[tilespmem:s9], [sflag:$0x1] =	stream.indirect.gather [hbm4b:s2+s8], $0x40, s16, s8, $0xb8;
	[tilespmem:$0xEF10] =	vst v63  }
0xda: {  	s1 =	rddreg [dreg:$0x16]  }
0xdb: {  	[hbm4b:s1+s4] =	stream.strided.scatter [tilespmem:s3], [sflag:$0x2], $0x6400, s6, s4, $0x38;
	[tilespmem:$0xEF10] =	vst v63  }
0xdc: {  	_ =	swait.ge [sflag:s5], $0x6400  }
0xdd: {  	[sflag:s5] =	ssyncset.done $0x0  }
0xde: {  	[sflag:s5] =	ssyncadd.s32 $0xFFFF9C00  }
0xdf: {  	_ =	swait.ge [sflag:s7], $0x6400  }
0xe0: {  	[sflag:s7] =	ssyncset.done $0x0  }
0xe1: {  	[sflag:s7] =	ssyncadd.s32 $0xFFFF9C00  }
0xe2: {  	[tilespmem:s3], [sflag:$0x1] =	stream.indirect.gather [hbm4b:s2+s8], $0x40, s15, s8, $0xb8;
	[tilespmem:$0xEF10] =	vst v63  }
0xe3: {  	s1 =	rddreg [dreg:$0x17]  }
0xe4: {  	[hbm4b:s1+s4] =	stream.strided.scatter [tilespmem:s9], [sflag:$0x2], $0x6400, s6, s4, $0x38;
	[tilespmem:$0xEF10] =	vst v63  }
0xe5: {  	_ =	swait.ge [sflag:s5], $0x6400  }
0xe6: {  	[sflag:s5] =	ssyncset.done $0x0  }
0xe7: {  	[sflag:s5] =	ssyncadd.s32 $0xFFFF9C00  }
0xe8: {  	_ =	swait.ge [sflag:s7], $0x6400  }
0xe9: {  	[sflag:s7] =	ssyncset.done $0x0  }
0xea: {  	[sflag:s7] =	ssyncadd.s32 $0xFFFF9C00  }
0xeb: {  	[tilespmem:s9], [sflag:$0x1] =	stream.indirect.gather [hbm4b:s2+s8], $0x40, s14, s8, $0xb8;
	[tilespmem:$0xEF10] =	vst v63  }
0xec: {  	s1 =	rddreg [dreg:$0x18]  }
0xed: {  	[hbm4b:s1+s4] =	stream.strided.scatter [tilespmem:s3], [sflag:$0x2], $0x6400, s6, s4, $0x38;
	[tilespmem:$0xEF10] =	vst v63  }
0xee: {  	_ =	swait.ge [sflag:s5], $0x6400  }
0xef: {  	[sflag:s5] =	ssyncset.done $0x0  }
0xf0: {  	[sflag:s5] =	ssyncadd.s32 $0xFFFF9C00  }
0xf1: {  	_ =	swait.ge [sflag:s7], $0x6400  }
0xf2: {  	[sflag:s7] =	ssyncset.done $0x0  }
0xf3: {  	[sflag:s7] =	ssyncadd.s32 $0xFFFF9C00  }
0xf4: {  	[tilespmem:s3], [sflag:$0x1] =	stream.indirect.gather [hbm4b:s2+s8], $0x40, s13, s8, $0xb8;
	[tilespmem:$0xEF10] =	vst v63  }
0xf5: {  	s1 =	rddreg [dreg:$0x19]  }
0xf6: {  	[hbm4b:s1+s4] =	stream.strided.scatter [tilespmem:s9], [sflag:$0x2], $0x6400, s6, s4, $0x38;
	[tilespmem:$0xEF10] =	vst v63  }
0xf7: {  	_ =	swait.ge [sflag:s5], $0x6400  }
0xf8: {  	[sflag:s5] =	ssyncset.done $0x0  }
0xf9: {  	[sflag:s5] =	ssyncadd.s32 $0xFFFF9C00  }
0xfa: {  	_ =	swait.ge [sflag:s7], $0x6400  }
0xfb: {  	[sflag:s7] =	ssyncset.done $0x0  }
0xfc: {  	[sflag:s7] =	ssyncadd.s32 $0xFFFF9C00  }
0xfd: {  	[tilespmem:s9], [sflag:$0x1] =	stream.indirect.gather [hbm4b:s2+s8], $0x40, s12, s8, $0xb8;
	[tilespmem:$0xEF10] =	vst v63  }
0xfe: {  	s1 =	rddreg [dreg:$0x1a]  }
0xff: {  	[hbm4b:s1+s4] =	stream.strided.scatter [tilespmem:s3], [sflag:$0x2], $0x6400, s6, s4, $0x38;
	[tilespmem:$0xEF10] =	vst v63  }
0x100: {  	_ =	swait.ge [sflag:s5], $0x6400  }
0x101: {  	[sflag:s5] =	ssyncset.done $0x0  }
0x102: {  	[sflag:s5] =	ssyncadd.s32 $0xFFFF9C00  }
0x103: {  	_ =	swait.ge [sflag:s7], $0x6400  }
0x104: {  	[sflag:s7] =	ssyncset.done $0x0  }
0x105: {  	[sflag:s7] =	ssyncadd.s32 $0xFFFF9C00  }
0x106: {  	[tilespmem:s3], [sflag:$0x1] =	stream.indirect.gather [hbm4b:s2+s8], $0x40, s11, s8, $0xb8;
	[tilespmem:$0xEF10] =	vst v63  }
0x107: {  	s1 =	rddreg [dreg:$0x1b]  }
0x108: {  	[hbm4b:s1+s4] =	stream.strided.scatter [tilespmem:s9], [sflag:$0x2], $0x6400, s6, s4, $0x38;
	[tilespmem:$0xEF10] =	vst v63  }
0x109: {  	_ =	swait.ge [sflag:s5], $0x6400  }
0x10a: {  	[sflag:s5] =	ssyncset.done $0x0  }
0x10b: {  	[sflag:s5] =	ssyncadd.s32 $0xFFFF9C00  }
0x10c: {  	p1 =	sne.s32 s10, $0x1;
	_ =	swait.ge [sflag:s7], $0x6400  }
.Ltmp1:
0x10d: {  	[sflag:s7] =	ssyncset.done $0x0;
	(pc) =	sbr.rel @!p1 .LBB2_3-.Ltmp1, $4  }
0x10e: {  	s1 =	rddreg [dreg:$0x1c];
	[sflag:s7] =	ssyncadd.s32 $0xFFFF9C00  }
0x10f: {  	[hbm4b:s1+s4] =	stream.strided.scatter [tilespmem:s3], [sflag:$0x2], $0x6400, s6, s4, $0x38;
	[tilespmem:$0xEF10] =	vst v63  }
0x110: {  	p0 =	por $0x1, $0x1;
	_ =	swait.ge [sflag:s7], $0x6400  }
0x111: {  	s1 =	sadd.s32 $0xFFFFFFFF, s10;
	s0 =	rddreg [dreg:$0x3];
	[sflag:s7] =	ssyncset.done $0x0  }
.LBB2_4:
0x112: {  	[sflag:s7] =	ssyncadd.s32 $0xFFFF9C00  }
0x113: {  	[tilespmem:s25], [sflag:$0x3] =	stream.linear.gather [hbm4b:s0+s25], $0x2710, $0x38;
	[tilespmem:$0xEF10] =	vst v63  }
0x114: {  	_ =	swait.ge [sflag:s31], $0x2710  }
0x115: {  	[sflag:s31] =	ssyncset.done $0x0  }
0x116: {  	[sflag:s31] =	ssyncadd.s32 $0xFFFFD8F0  }
0x117: {  	[tilespmem:s3], [sflag:$0x1] =	stream.indirect.gather [hbm4b:s2+s8], $0x40, s25, s8, $0xb8;
	[tilespmem:$0xEF10] =	vst v63  }
0x118: {  	_ =	swait.ge [sflag:s5], $0x6400  }
0x119: {  	[sflag:s5] =	ssyncset.done $0x0  }
0x11a: {  	[sflag:s5] =	ssyncadd.s32 $0xFFFF9C00  }
0x11b: {  	[tilespmem:s9], [sflag:$0x1] =	stream.indirect.gather [hbm4b:s2+s8], $0x40, s8, s8, $0xb8;
	[tilespmem:$0xEF10] =	vst v63  }
0x11c: {  	s10 =	rddreg [dreg:$0x4]  }
0x11d: {  	[hbm4b:s10+s4] =	stream.strided.scatter [tilespmem:s3], [sflag:$0x2], $0x6400, s6, s4, $0x38;
	[tilespmem:$0xEF10] =	vst v63  }
0x11e: {  	_ =	swait.ge [sflag:s5], $0x6400  }
0x11f: {  	[sflag:s5] =	ssyncset.done $0x0  }
0x120: {  	[sflag:s5] =	ssyncadd.s32 $0xFFFF9C00  }
0x121: {  	_ =	swait.ge [sflag:s7], $0x6400  }
0x122: {  	[sflag:s7] =	ssyncset.done $0x0  }
0x123: {  	s0 =	rddreg [dreg:$0x1d];
	[sflag:s7] =	ssyncadd.s32 $0xFFFF9C00  }
0x124: {  	[tilespmem:s3], [sflag:$0x1] =	stream.indirect.gather [hbm4b:s2+s8], $0x40, s0, s8, $0xb8;
	[tilespmem:$0xEF10] =	vst v63  }
0x125: {  	s10 =	rddreg [dreg:$0x5]  }
0x126: {  	[hbm4b:s10+s4] =	stream.strided.scatter [tilespmem:s9], [sflag:$0x2], $0x6400, s6, s4, $0x38;
	[tilespmem:$0xEF10] =	vst v63  }
0x127: {  	_ =	swait.ge [sflag:s5], $0x6400  }
0x128: {  	[sflag:s5] =	ssyncset.done $0x0  }
0x129: {  	[sflag:s5] =	ssyncadd.s32 $0xFFFF9C00  }
0x12a: {  	_ =	swait.ge [sflag:s7], $0x6400  }
0x12b: {  	[sflag:s7] =	ssyncset.done $0x0  }
0x12c: {  	s0 =	rddreg [dreg:$0x1e];
	[sflag:s7] =	ssyncadd.s32 $0xFFFF9C00  }
0x12d: {  	[tilespmem:s9], [sflag:$0x1] =	stream.indirect.gather [hbm4b:s2+s8], $0x40, s0, s8, $0xb8;
	[tilespmem:$0xEF10] =	vst v63  }
0x12e: {  	s10 =	rddreg [dreg:$0x6]  }
0x12f: {  	[hbm4b:s10+s4] =	stream.strided.scatter [tilespmem:s3], [sflag:$0x2], $0x6400, s6, s4, $0x38;
	[tilespmem:$0xEF10] =	vst v63  }
0x130: {  	_ =	swait.ge [sflag:s5], $0x6400  }
0x131: {  	[sflag:s5] =	ssyncset.done $0x0  }
0x132: {  	[sflag:s5] =	ssyncadd.s32 $0xFFFF9C00  }
0x133: {  	_ =	swait.ge [sflag:s7], $0x6400  }
0x134: {  	[sflag:s7] =	ssyncset.done $0x0  }
0x135: {  	s0 =	rddreg [dreg:$0x1f];
	[sflag:s7] =	ssyncadd.s32 $0xFFFF9C00  }
0x136: {  	[tilespmem:s3], [sflag:$0x1] =	stream.indirect.gather [hbm4b:s2+s8], $0x40, s0, s8, $0xb8;
	[tilespmem:$0xEF10] =	vst v63  }
0x137: {  	s10 =	rddreg [dreg:$0x7]  }
0x138: {  	[hbm4b:s10+s4] =	stream.strided.scatter [tilespmem:s9], [sflag:$0x2], $0x6400, s6, s4, $0x38;
	[tilespmem:$0xEF10] =	vst v63  }
0x139: {  	_ =	swait.ge [sflag:s5], $0x6400  }
0x13a: {  	[sflag:s5] =	ssyncset.done $0x0  }
0x13b: {  	[sflag:s5] =	ssyncadd.s32 $0xFFFF9C00  }
0x13c: {  	_ =	swait.ge [sflag:s7], $0x6400  }
0x13d: {  	s0 =	sld [smem:$0x7FD]  }
0x13e: {  	[sflag:s7] =	ssyncset.done $0x0  }
0x13f: {  	[sflag:s7] =	ssyncadd.s32 $0xFFFF9C00  }
0x140: {  	[tilespmem:s9], [sflag:$0x1] =	stream.indirect.gather [hbm4b:s2+s8], $0x40, s0, s8, $0xb8;
	[tilespmem:$0xEF10] =	vst v63  }
0x141: {  	s10 =	rddreg [dreg:$0x8]  }
0x142: {  	[hbm4b:s10+s4] =	stream.strided.scatter [tilespmem:s3], [sflag:$0x2], $0x6400, s6, s4, $0x38;
	[tilespmem:$0xEF10] =	vst v63  }
0x143: {  	_ =	swait.ge [sflag:s5], $0x6400  }
0x144: {  	[sflag:s5] =	ssyncset.done $0x0  }
0x145: {  	[sflag:s5] =	ssyncadd.s32 $0xFFFF9C00  }
0x146: {  	_ =	swait.ge [sflag:s7], $0x6400  }
0x147: {  	[sflag:s7] =	ssyncset.done $0x0  }
0x148: {  	s10 =	simm.s32 $0x960;
	[sflag:s7] =	ssyncadd.s32 $0xFFFF9C00  }
0x149: {  	[tilespmem:s3], [sflag:$0x1] =	stream.indirect.gather [hbm4b:s2+s8], $0x40, s10, s8, $0xb8;
	[tilespmem:$0xEF10] =	vst v63  }
0x14a: {  	s0 =	rddreg [dreg:$0x9]  }
0x14b: {  	[hbm4b:s0+s4] =	stream.strided.scatter [tilespmem:s9], [sflag:$0x2], $0x6400, s6, s4, $0x38;
	[tilespmem:$0xEF10] =	vst v63  }
0x14c: {  	_ =	swait.ge [sflag:s5], $0x6400  }
0x14d: {  	[sflag:s5] =	ssyncset.done $0x0  }
0x14e: {  	[sflag:s5] =	ssyncadd.s32 $0xFFFF9C00  }
0x14f: {  	_ =	swait.ge [sflag:s7], $0x6400  }
0x150: {  	[sflag:s7] =	ssyncset.done $0x0  }
0x151: {  	[sflag:s7] =	ssyncadd.s32 $0xFFFF9C00  }
0x152: {  	[tilespmem:s9], [sflag:$0x1] =	stream.indirect.gather [hbm4b:s2+s8], $0x40, s30, s8, $0xb8;
	[tilespmem:$0xEF10] =	vst v63  }
0x153: {  	s10 =	rddreg [dreg:$0xa]  }
0x154: {  	[hbm4b:s10+s4] =	stream.strided.scatter [tilespmem:s3], [sflag:$0x2], $0x6400, s6, s4, $0x38;
	[tilespmem:$0xEF10] =	vst v63  }
0x155: {  	_ =	swait.ge [sflag:s5], $0x6400  }
0x156: {  	[sflag:s5] =	ssyncset.done $0x0  }
0x157: {  	[sflag:s5] =	ssyncadd.s32 $0xFFFF9C00  }
0x158: {  	_ =	swait.ge [sflag:s7], $0x6400  }
0x159: {  	[sflag:s7] =	ssyncset.done $0x0  }
0x15a: {  	[sflag:s7] =	ssyncadd.s32 $0xFFFF9C00  }
0x15b: {  	[tilespmem:s3], [sflag:$0x1] =	stream.indirect.gather [hbm4b:s2+s8], $0x40, s29, s8, $0xb8;
	[tilespmem:$0xEF10] =	vst v63  }
0x15c: {  	s10 =	rddreg [dreg:$0xb]  }
0x15d: {  	[hbm4b:s10+s4] =	stream.strided.scatter [tilespmem:s9], [sflag:$0x2], $0x6400, s6, s4, $0x38;
	[tilespmem:$0xEF10] =	vst v63  }
0x15e: {  	_ =	swait.ge [sflag:s5], $0x6400  }
0x15f: {  	[sflag:s5] =	ssyncset.done $0x0  }
0x160: {  	[sflag:s5] =	ssyncadd.s32 $0xFFFF9C00  }
0x161: {  	_ =	swait.ge [sflag:s7], $0x6400  }
0x162: {  	[sflag:s7] =	ssyncset.done $0x0  }
0x163: {  	[sflag:s7] =	ssyncadd.s32 $0xFFFF9C00  }
0x164: {  	[tilespmem:s9], [sflag:$0x1] =	stream.indirect.gather [hbm4b:s2+s8], $0x40, s28, s8, $0xb8;
	[tilespmem:$0xEF10] =	vst v63  }
0x165: {  	s10 =	rddreg [dreg:$0xc]  }
0x166: {  	[hbm4b:s10+s4] =	stream.strided.scatter [tilespmem:s3], [sflag:$0x2], $0x6400, s6, s4, $0x38;
	[tilespmem:$0xEF10] =	vst v63  }
0x167: {  	_ =	swait.ge [sflag:s5], $0x6400  }
0x168: {  	[sflag:s5] =	ssyncset.done $0x0  }
0x169: {  	[sflag:s5] =	ssyncadd.s32 $0xFFFF9C00  }
0x16a: {  	_ =	swait.ge [sflag:s7], $0x6400  }
0x16b: {  	[sflag:s7] =	ssyncset.done $0x0  }
0x16c: {  	[sflag:s7] =	ssyncadd.s32 $0xFFFF9C00  }
0x16d: {  	[tilespmem:s3], [sflag:$0x1] =	stream.indirect.gather [hbm4b:s2+s8], $0x40, s26, s8, $0xb8;
	[tilespmem:$0xEF10] =	vst v63  }
0x16e: {  	s10 =	rddreg [dreg:$0xd]  }
0x16f: {  	[hbm4b:s10+s4] =	stream.strided.scatter [tilespmem:s9], [sflag:$0x2], $0x6400, s6, s4, $0x38;
	[tilespmem:$0xEF10] =	vst v63  }
0x170: {  	_ =	swait.ge [sflag:s5], $0x6400  }
0x171: {  	[sflag:s5] =	ssyncset.done $0x0  }
0x172: {  	[sflag:s5] =	ssyncadd.s32 $0xFFFF9C00  }
0x173: {  	_ =	swait.ge [sflag:s7], $0x6400  }
0x174: {  	[sflag:s7] =	ssyncset.done $0x0  }
0x175: {  	[sflag:s7] =	ssyncadd.s32 $0xFFFF9C00  }
0x176: {  	[tilespmem:s9], [sflag:$0x1] =	stream.indirect.gather [hbm4b:s2+s8], $0x40, s24, s8, $0xb8;
	[tilespmem:$0xEF10] =	vst v63  }
0x177: {  	s10 =	rddreg [dreg:$0xe]  }
0x178: {  	[hbm4b:s10+s4] =	stream.strided.scatter [tilespmem:s3], [sflag:$0x2], $0x6400, s6, s4, $0x38;
	[tilespmem:$0xEF10] =	vst v63  }
0x179: {  	_ =	swait.ge [sflag:s5], $0x6400  }
0x17a: {  	[sflag:s5] =	ssyncset.done $0x0  }
0x17b: {  	[sflag:s5] =	ssyncadd.s32 $0xFFFF9C00  }
0x17c: {  	_ =	swait.ge [sflag:s7], $0x6400  }
0x17d: {  	[sflag:s7] =	ssyncset.done $0x0  }
0x17e: {  	[sflag:s7] =	ssyncadd.s32 $0xFFFF9C00  }
0x17f: {  	[tilespmem:s3], [sflag:$0x1] =	stream.indirect.gather [hbm4b:s2+s8], $0x40, s23, s8, $0xb8;
	[tilespmem:$0xEF10] =	vst v63  }
0x180: {  	s10 =	rddreg [dreg:$0xf]  }
0x181: {  	[hbm4b:s10+s4] =	stream.strided.scatter [tilespmem:s9], [sflag:$0x2], $0x6400, s6, s4, $0x38;
	[tilespmem:$0xEF10] =	vst v63  }
0x182: {  	_ =	swait.ge [sflag:s5], $0x6400  }
0x183: {  	[sflag:s5] =	ssyncset.done $0x0  }
0x184: {  	[sflag:s5] =	ssyncadd.s32 $0xFFFF9C00  }
0x185: {  	_ =	swait.ge [sflag:s7], $0x6400  }
0x186: {  	[sflag:s7] =	ssyncset.done $0x0  }
0x187: {  	[sflag:s7] =	ssyncadd.s32 $0xFFFF9C00  }
0x188: {  	[tilespmem:s9], [sflag:$0x1] =	stream.indirect.gather [hbm4b:s2+s8], $0x40, s22, s8, $0xb8;
	[tilespmem:$0xEF10] =	vst v63  }
0x189: {  	s10 =	rddreg [dreg:$0x10]  }
0x18a: {  	[hbm4b:s10+s4] =	stream.strided.scatter [tilespmem:s3], [sflag:$0x2], $0x6400, s6, s4, $0x38;
	[tilespmem:$0xEF10] =	vst v63  }
0x18b: {  	_ =	swait.ge [sflag:s5], $0x6400  }
0x18c: {  	[sflag:s5] =	ssyncset.done $0x0  }
0x18d: {  	[sflag:s5] =	ssyncadd.s32 $0xFFFF9C00  }
0x18e: {  	_ =	swait.ge [sflag:s7], $0x6400  }
0x18f: {  	[sflag:s7] =	ssyncset.done $0x0  }
0x190: {  	[sflag:s7] =	ssyncadd.s32 $0xFFFF9C00  }
0x191: {  	[tilespmem:s3], [sflag:$0x1] =	stream.indirect.gather [hbm4b:s2+s8], $0x40, s21, s8, $0xb8;
	[tilespmem:$0xEF10] =	vst v63  }
0x192: {  	s10 =	rddreg [dreg:$0x11]  }
0x193: {  	[hbm4b:s10+s4] =	stream.strided.scatter [tilespmem:s9], [sflag:$0x2], $0x6400, s6, s4, $0x38;
	[tilespmem:$0xEF10] =	vst v63  }
0x194: {  	_ =	swait.ge [sflag:s5], $0x6400  }
0x195: {  	[sflag:s5] =	ssyncset.done $0x0  }
0x196: {  	[sflag:s5] =	ssyncadd.s32 $0xFFFF9C00  }
0x197: {  	_ =	swait.ge [sflag:s7], $0x6400  }
0x198: {  	[sflag:s7] =	ssyncset.done $0x0  }
0x199: {  	[sflag:s7] =	ssyncadd.s32 $0xFFFF9C00  }
0x19a: {  	[tilespmem:s9], [sflag:$0x1] =	stream.indirect.gather [hbm4b:s2+s8], $0x40, s20, s8, $0xb8;
	[tilespmem:$0xEF10] =	vst v63  }
0x19b: {  	s10 =	rddreg [dreg:$0x12]  }
0x19c: {  	[hbm4b:s10+s4] =	stream.strided.scatter [tilespmem:s3], [sflag:$0x2], $0x6400, s6, s4, $0x38;
	[tilespmem:$0xEF10] =	vst v63  }
0x19d: {  	_ =	swait.ge [sflag:s5], $0x6400  }
0x19e: {  	[sflag:s5] =	ssyncset.done $0x0  }
0x19f: {  	[sflag:s5] =	ssyncadd.s32 $0xFFFF9C00  }
0x1a0: {  	_ =	swait.ge [sflag:s7], $0x6400  }
0x1a1: {  	[sflag:s7] =	ssyncset.done $0x0  }
0x1a2: {  	[sflag:s7] =	ssyncadd.s32 $0xFFFF9C00  }
0x1a3: {  	[tilespmem:s3], [sflag:$0x1] =	stream.indirect.gather [hbm4b:s2+s8], $0x40, s19, s8, $0xb8;
	[tilespmem:$0xEF10] =	vst v63  }
0x1a4: {  	s10 =	rddreg [dreg:$0x13]  }
0x1a5: {  	[hbm4b:s10+s4] =	stream.strided.scatter [tilespmem:s9], [sflag:$0x2], $0x6400, s6, s4, $0x38;
	[tilespmem:$0xEF10] =	vst v63  }
0x1a6: {  	_ =	swait.ge [sflag:s5], $0x6400  }
0x1a7: {  	[sflag:s5] =	ssyncset.done $0x0  }
0x1a8: {  	[sflag:s5] =	ssyncadd.s32 $0xFFFF9C00  }
0x1a9: {  	_ =	swait.ge [sflag:s7], $0x6400  }
0x1aa: {  	[sflag:s7] =	ssyncset.done $0x0  }
0x1ab: {  	[sflag:s7] =	ssyncadd.s32 $0xFFFF9C00  }
0x1ac: {  	[tilespmem:s9], [sflag:$0x1] =	stream.indirect.gather [hbm4b:s2+s8], $0x40, s18, s8, $0xb8;
	[tilespmem:$0xEF10] =	vst v63  }
0x1ad: {  	s10 =	rddreg [dreg:$0x14]  }
0x1ae: {  	[hbm4b:s10+s4] =	stream.strided.scatter [tilespmem:s3], [sflag:$0x2], $0x6400, s6, s4, $0x38;
	[tilespmem:$0xEF10] =	vst v63  }
0x1af: {  	_ =	swait.ge [sflag:s5], $0x6400  }
0x1b0: {  	[sflag:s5] =	ssyncset.done $0x0  }
0x1b1: {  	[sflag:s5] =	ssyncadd.s32 $0xFFFF9C00  }
0x1b2: {  	_ =	swait.ge [sflag:s7], $0x6400  }
0x1b3: {  	[sflag:s7] =	ssyncset.done $0x0  }
0x1b4: {  	[sflag:s7] =	ssyncadd.s32 $0xFFFF9C00  }
0x1b5: {  	[tilespmem:s3], [sflag:$0x1] =	stream.indirect.gather [hbm4b:s2+s8], $0x40, s17, s8, $0xb8;
	[tilespmem:$0xEF10] =	vst v63  }
0x1b6: {  	s10 =	rddreg [dreg:$0x15]  }
0x1b7: {  	[hbm4b:s10+s4] =	stream.strided.scatter [tilespmem:s9], [sflag:$0x2], $0x6400, s6, s4, $0x38;
	[tilespmem:$0xEF10] =	vst v63  }
0x1b8: {  	_ =	swait.ge [sflag:s5], $0x6400  }
0x1b9: {  	[sflag:s5] =	ssyncset.done $0x0  }
0x1ba: {  	[sflag:s5] =	ssyncadd.s32 $0xFFFF9C00  }
0x1bb: {  	_ =	swait.ge [sflag:s7], $0x6400  }
0x1bc: {  	[sflag:s7] =	ssyncset.done $0x0  }
0x1bd: {  	[sflag:s7] =	ssyncadd.s32 $0xFFFF9C00  }
0x1be: {  	[tilespmem:s9], [sflag:$0x1] =	stream.indirect.gather [hbm4b:s2+s8], $0x40, s16, s8, $0xb8;
	[tilespmem:$0xEF10] =	vst v63  }
0x1bf: {  	s10 =	rddreg [dreg:$0x16]  }
0x1c0: {  	[hbm4b:s10+s4] =	stream.strided.scatter [tilespmem:s3], [sflag:$0x2], $0x6400, s6, s4, $0x38;
	[tilespmem:$0xEF10] =	vst v63  }
0x1c1: {  	_ =	swait.ge [sflag:s5], $0x6400  }
0x1c2: {  	[sflag:s5] =	ssyncset.done $0x0  }
0x1c3: {  	[sflag:s5] =	ssyncadd.s32 $0xFFFF9C00  }
0x1c4: {  	_ =	swait.ge [sflag:s7], $0x6400  }
0x1c5: {  	[sflag:s7] =	ssyncset.done $0x0  }
0x1c6: {  	[sflag:s7] =	ssyncadd.s32 $0xFFFF9C00  }
0x1c7: {  	[tilespmem:s3], [sflag:$0x1] =	stream.indirect.gather [hbm4b:s2+s8], $0x40, s15, s8, $0xb8;
	[tilespmem:$0xEF10] =	vst v63  }
0x1c8: {  	s10 =	rddreg [dreg:$0x17]  }
0x1c9: {  	[hbm4b:s10+s4] =	stream.strided.scatter [tilespmem:s9], [sflag:$0x2], $0x6400, s6, s4, $0x38;
	[tilespmem:$0xEF10] =	vst v63  }
0x1ca: {  	_ =	swait.ge [sflag:s5], $0x6400  }
0x1cb: {  	[sflag:s5] =	ssyncset.done $0x0  }
0x1cc: {  	[sflag:s5] =	ssyncadd.s32 $0xFFFF9C00  }
0x1cd: {  	_ =	swait.ge [sflag:s7], $0x6400  }
0x1ce: {  	[sflag:s7] =	ssyncset.done $0x0  }
0x1cf: {  	[sflag:s7] =	ssyncadd.s32 $0xFFFF9C00  }
0x1d0: {  	[tilespmem:s9], [sflag:$0x1] =	stream.indirect.gather [hbm4b:s2+s8], $0x40, s14, s8, $0xb8;
	[tilespmem:$0xEF10] =	vst v63  }
0x1d1: {  	s10 =	rddreg [dreg:$0x18]  }
0x1d2: {  	[hbm4b:s10+s4] =	stream.strided.scatter [tilespmem:s3], [sflag:$0x2], $0x6400, s6, s4, $0x38;
	[tilespmem:$0xEF10] =	vst v63  }
0x1d3: {  	_ =	swait.ge [sflag:s5], $0x6400  }
0x1d4: {  	[sflag:s5] =	ssyncset.done $0x0  }
0x1d5: {  	[sflag:s5] =	ssyncadd.s32 $0xFFFF9C00  }
0x1d6: {  	_ =	swait.ge [sflag:s7], $0x6400  }
0x1d7: {  	[sflag:s7] =	ssyncset.done $0x0  }
0x1d8: {  	[sflag:s7] =	ssyncadd.s32 $0xFFFF9C00  }
0x1d9: {  	[tilespmem:s3], [sflag:$0x1] =	stream.indirect.gather [hbm4b:s2+s8], $0x40, s13, s8, $0xb8;
	[tilespmem:$0xEF10] =	vst v63  }
0x1da: {  	s10 =	rddreg [dreg:$0x19]  }
0x1db: {  	[hbm4b:s10+s4] =	stream.strided.scatter [tilespmem:s9], [sflag:$0x2], $0x6400, s6, s4, $0x38;
	[tilespmem:$0xEF10] =	vst v63  }
0x1dc: {  	_ =	swait.ge [sflag:s5], $0x6400  }
0x1dd: {  	[sflag:s5] =	ssyncset.done $0x0  }
0x1de: {  	[sflag:s5] =	ssyncadd.s32 $0xFFFF9C00  }
0x1df: {  	_ =	swait.ge [sflag:s7], $0x6400  }
0x1e0: {  	[sflag:s7] =	ssyncset.done $0x0  }
0x1e1: {  	[sflag:s7] =	ssyncadd.s32 $0xFFFF9C00  }
0x1e2: {  	[tilespmem:s9], [sflag:$0x1] =	stream.indirect.gather [hbm4b:s2+s8], $0x40, s12, s8, $0xb8;
	[tilespmem:$0xEF10] =	vst v63  }
0x1e3: {  	s10 =	rddreg [dreg:$0x1a]  }
0x1e4: {  	[hbm4b:s10+s4] =	stream.strided.scatter [tilespmem:s3], [sflag:$0x2], $0x6400, s6, s4, $0x38;
	[tilespmem:$0xEF10] =	vst v63  }
0x1e5: {  	_ =	swait.ge [sflag:s5], $0x6400  }
0x1e6: {  	[sflag:s5] =	ssyncset.done $0x0  }
0x1e7: {  	[sflag:s5] =	ssyncadd.s32 $0xFFFF9C00  }
0x1e8: {  	_ =	swait.ge [sflag:s7], $0x6400  }
0x1e9: {  	[sflag:s7] =	ssyncset.done $0x0  }
0x1ea: {  	[sflag:s7] =	ssyncadd.s32 $0xFFFF9C00  }
0x1eb: {  	[tilespmem:s3], [sflag:$0x1] =	stream.indirect.gather [hbm4b:s2+s8], $0x40, s11, s8, $0xb8;
	[tilespmem:$0xEF10] =	vst v63  }
0x1ec: {  	s10 =	rddreg [dreg:$0x1b]  }
0x1ed: {  	[hbm4b:s10+s4] =	stream.strided.scatter [tilespmem:s9], [sflag:$0x2], $0x6400, s6, s4, $0x38;
	[tilespmem:$0xEF10] =	vst v63  }
0x1ee: {  	_ =	swait.ge [sflag:s5], $0x6400  }
0x1ef: {  	[sflag:s5] =	ssyncset.done $0x0  }
0x1f0: {  	[sflag:s5] =	ssyncadd.s32 $0xFFFF9C00  }
0x1f1: {  	p1 =	sne.s32 s1, $0x1;
	_ =	swait.ge [sflag:s7], $0x6400  }
.Ltmp2:
0x1f2: {  	[sflag:s7] =	ssyncset.done $0x0;
	(pc) =	sbr.rel @p1 .LBB2_4-.Ltmp2, $4  }
0x1f3: {  	s10 =	rddreg [dreg:$0x1c];
	[sflag:s7] =	ssyncadd.s32 $0xFFFF9C00  }
0x1f4: {  	[hbm4b:s10+s4] =	stream.strided.scatter [tilespmem:s3], [sflag:$0x2], $0x6400, s6, s4, $0x38;
	[tilespmem:$0xEF10] =	vst v63  }
0x1f5: {  	_ =	swait.ge [sflag:s7], $0x6400  }
0x1f6: {  	s1 =	sadd.s32 $0xFFFFFFFF, s1;
	s0 =	rddreg [dreg:$0x3];
	[sflag:s7] =	ssyncset.done $0x0  }
0x1f7: {  	s11 =	simm.s32 $0x960  }
0x1f8: {  	s30 =	simm.s32 $0xAF0;
	s29 =	simm.s32 $0xC80;
	s28 =	simm.s32 $0xE10  }
0x1f9: {  	s26 =	simm.s32 $0xFA0;
	s24 =	simm.s32 $0x1130;
	s23 =	simm.s32 $0x12C0  }
0x1fa: {  	s22 =	simm.s32 $0x1450;
	s21 =	simm.s32 $0x15E0;
	s20 =	simm.s32 $0x1770  }
0x1fb: {  	s19 =	simm.s32 $0x1900;
	s18 =	simm.s32 $0x1A90;
	s17 =	simm.s32 $0x1C20  }
0x1fc: {  	s16 =	simm.s32 $0x1DB0;
	s15 =	simm.s32 $0x1F40;
	s14 =	simm.s32 $0x20D0  }
0x1fd: {  	s13 =	simm.s32 $0x2260;
	s12 =	simm.s32 $0x23F0;
	s10 =	stileid.u32  }
.LBB2_6:
0x1fe: {  	[sflag:s7] =	ssyncadd.s32 @p0 $0xFFFF9C00  }
0x1ff: {  	[tilespmem:s25], [sflag:$0x3] =	stream.linear.gather [hbm4b:s0+s25], $0x2710, $0x38;
	[tilespmem:$0xEF10] =	vst v63  }
0x200: {  	_ =	swait.ge [sflag:s31], $0x2710  }
0x201: {  	[sflag:s31] =	ssyncset.done $0x0  }
0x202: {  	[sflag:s31] =	ssyncadd.s32 $0xFFFFD8F0  }
0x203: {  	[tilespmem:s3], [sflag:$0x1] =	stream.indirect.gather [hbm4b:s2+s8], $0x40, s25, s8, $0xb8;
	[tilespmem:$0xEF10] =	vst v63  }
0x204: {  	_ =	swait.ge [sflag:s5], $0x6400  }
0x205: {  	[sflag:s5] =	ssyncset.done $0x0  }
0x206: {  	[sflag:s5] =	ssyncadd.s32 $0xFFFF9C00  }
0x207: {  	[tilespmem:s9], [sflag:$0x1] =	stream.indirect.gather [hbm4b:s2+s8], $0x40, s8, s8, $0xb8;
	[tilespmem:$0xEF10] =	vst v63  }
0x208: {  	s25 =	rddreg [dreg:$0x4]  }
0x209: {  	[hbm4b:s25+s4] =	stream.strided.scatter [tilespmem:s3], [sflag:$0x2], $0x6400, s6, s4, $0x38;
	[tilespmem:$0xEF10] =	vst v63  }
0x20a: {  	_ =	swait.ge [sflag:s5], $0x6400  }
0x20b: {  	[sflag:s5] =	ssyncset.done $0x0  }
0x20c: {  	[sflag:s5] =	ssyncadd.s32 $0xFFFF9C00  }
0x20d: {  	_ =	swait.ge [sflag:s7], $0x6400  }
0x20e: {  	[sflag:s7] =	ssyncset.done $0x0  }
0x20f: {  	s31 =	rddreg [dreg:$0x1d];
	[sflag:s7] =	ssyncadd.s32 $0xFFFF9C00  }
0x210: {  	[tilespmem:s3], [sflag:$0x1] =	stream.indirect.gather [hbm4b:s2+s8], $0x40, s31, s8, $0xb8;
	[tilespmem:$0xEF10] =	vst v63  }
0x211: {  	s1 =	rddreg [dreg:$0x5]  }
0x212: {  	[hbm4b:s1+s4] =	stream.strided.scatter [tilespmem:s9], [sflag:$0x2], $0x6400, s6, s4, $0x38;
	[tilespmem:$0xEF10] =	vst v63  }
0x213: {  	_ =	swait.ge [sflag:s5], $0x6400  }
0x214: {  	[sflag:s5] =	ssyncset.done $0x0  }
0x215: {  	[sflag:s5] =	ssyncadd.s32 $0xFFFF9C00  }
0x216: {  	_ =	swait.ge [sflag:s7], $0x6400  }
0x217: {  	[sflag:s7] =	ssyncset.done $0x0  }
0x218: {  	s25 =	rddreg [dreg:$0x1e];
	[sflag:s7] =	ssyncadd.s32 $0xFFFF9C00  }
0x219: {  	[tilespmem:s9], [sflag:$0x1] =	stream.indirect.gather [hbm4b:s2+s8], $0x40, s25, s8, $0xb8;
	[tilespmem:$0xEF10] =	vst v63  }
0x21a: {  	s31 =	rddreg [dreg:$0x6]  }
0x21b: {  	[hbm4b:s31+s4] =	stream.strided.scatter [tilespmem:s3], [sflag:$0x2], $0x6400, s6, s4, $0x38;
	[tilespmem:$0xEF10] =	vst v63  }
0x21c: {  	_ =	swait.ge [sflag:s5], $0x6400  }
0x21d: {  	[sflag:s5] =	ssyncset.done $0x0  }
0x21e: {  	[sflag:s5] =	ssyncadd.s32 $0xFFFF9C00  }
0x21f: {  	_ =	swait.ge [sflag:s7], $0x6400  }
0x220: {  	[sflag:s7] =	ssyncset.done $0x0  }
0x221: {  	s25 =	rddreg [dreg:$0x1f];
	[sflag:s7] =	ssyncadd.s32 $0xFFFF9C00  }
0x222: {  	[tilespmem:s3], [sflag:$0x1] =	stream.indirect.gather [hbm4b:s2+s8], $0x40, s25, s8, $0xb8;
	[tilespmem:$0xEF10] =	vst v63  }
0x223: {  	s31 =	rddreg [dreg:$0x7]  }
0x224: {  	[hbm4b:s31+s4] =	stream.strided.scatter [tilespmem:s9], [sflag:$0x2], $0x6400, s6, s4, $0x38;
	[tilespmem:$0xEF10] =	vst v63  }
0x225: {  	_ =	swait.ge [sflag:s5], $0x6400  }
0x226: {  	[sflag:s5] =	ssyncset.done $0x0  }
0x227: {  	[sflag:s5] =	ssyncadd.s32 $0xFFFF9C00  }
0x228: {  	_ =	swait.ge [sflag:s7], $0x6400  }
0x229: {  	s1 =	sld [smem:$0x7FD]  }
0x22a: {  	[sflag:s7] =	ssyncset.done $0x0  }
0x22b: {  	[sflag:s7] =	ssyncadd.s32 $0xFFFF9C00  }
0x22c: {  	[tilespmem:s9], [sflag:$0x1] =	stream.indirect.gather [hbm4b:s2+s8], $0x40, s1, s8, $0xb8;
	[tilespmem:$0xEF10] =	vst v63  }
0x22d: {  	s25 =	rddreg [dreg:$0x8]  }
0x22e: {  	[hbm4b:s25+s4] =	stream.strided.scatter [tilespmem:s3], [sflag:$0x2], $0x6400, s6, s4, $0x38;
	[tilespmem:$0xEF10] =	vst v63  }
0x22f: {  	_ =	swait.ge [sflag:s5], $0x6400  }
0x230: {  	[sflag:s5] =	ssyncset.done $0x0  }
0x231: {  	[sflag:s5] =	ssyncadd.s32 $0xFFFF9C00  }
0x232: {  	_ =	swait.ge [sflag:s7], $0x6400  }
0x233: {  	[sflag:s7] =	ssyncset.done $0x0  }
0x234: {  	[sflag:s7] =	ssyncadd.s32 $0xFFFF9C00  }
0x235: {  	[tilespmem:s3], [sflag:$0x1] =	stream.indirect.gather [hbm4b:s2+s8], $0x40, s11, s8, $0xb8;
	[tilespmem:$0xEF10] =	vst v63  }
0x236: {  	s31 =	rddreg [dreg:$0x9]  }
0x237: {  	[hbm4b:s31+s4] =	stream.strided.scatter [tilespmem:s9], [sflag:$0x2], $0x6400, s6, s4, $0x38;
	[tilespmem:$0xEF10] =	vst v63  }
0x238: {  	_ =	swait.ge [sflag:s5], $0x6400  }
0x239: {  	[sflag:s5] =	ssyncset.done $0x0  }
0x23a: {  	[sflag:s5] =	ssyncadd.s32 $0xFFFF9C00  }
0x23b: {  	_ =	swait.ge [sflag:s7], $0x6400  }
0x23c: {  	[sflag:s7] =	ssyncset.done $0x0  }
0x23d: {  	[sflag:s7] =	ssyncadd.s32 $0xFFFF9C00  }
0x23e: {  	[tilespmem:s9], [sflag:$0x1] =	stream.indirect.gather [hbm4b:s2+s8], $0x40, s30, s8, $0xb8;
	[tilespmem:$0xEF10] =	vst v63  }
0x23f: {  	s1 =	rddreg [dreg:$0xa]  }
0x240: {  	[hbm4b:s1+s4] =	stream.strided.scatter [tilespmem:s3], [sflag:$0x2], $0x6400, s6, s4, $0x38;
	[tilespmem:$0xEF10] =	vst v63  }
0x241: {  	_ =	swait.ge [sflag:s5], $0x6400  }
0x242: {  	[sflag:s5] =	ssyncset.done $0x0  }
0x243: {  	[sflag:s5] =	ssyncadd.s32 $0xFFFF9C00  }
0x244: {  	_ =	swait.ge [sflag:s7], $0x6400  }
0x245: {  	[sflag:s7] =	ssyncset.done $0x0  }
0x246: {  	[sflag:s7] =	ssyncadd.s32 $0xFFFF9C00  }
0x247: {  	[tilespmem:s3], [sflag:$0x1] =	stream.indirect.gather [hbm4b:s2+s8], $0x40, s29, s8, $0xb8;
	[tilespmem:$0xEF10] =	vst v63  }
0x248: {  	s11 =	rddreg [dreg:$0xb]  }
0x249: {  	[hbm4b:s11+s4] =	stream.strided.scatter [tilespmem:s9], [sflag:$0x2], $0x6400, s6, s4, $0x38;
	[tilespmem:$0xEF10] =	vst v63  }
0x24a: {  	_ =	swait.ge [sflag:s5], $0x6400  }
0x24b: {  	[sflag:s5] =	ssyncset.done $0x0  }
0x24c: {  	[sflag:s5] =	ssyncadd.s32 $0xFFFF9C00  }
0x24d: {  	_ =	swait.ge [sflag:s7], $0x6400  }
0x24e: {  	[sflag:s7] =	ssyncset.done $0x0  }
0x24f: {  	[sflag:s7] =	ssyncadd.s32 $0xFFFF9C00  }
0x250: {  	[tilespmem:s9], [sflag:$0x1] =	stream.indirect.gather [hbm4b:s2+s8], $0x40, s28, s8, $0xb8;
	[tilespmem:$0xEF10] =	vst v63  }
0x251: {  	s25 =	rddreg [dreg:$0xc]  }
0x252: {  	[hbm4b:s25+s4] =	stream.strided.scatter [tilespmem:s3], [sflag:$0x2], $0x6400, s6, s4, $0x38;
	[tilespmem:$0xEF10] =	vst v63  }
0x253: {  	_ =	swait.ge [sflag:s5], $0x6400  }
0x254: {  	[sflag:s5] =	ssyncset.done $0x0  }
0x255: {  	[sflag:s5] =	ssyncadd.s32 $0xFFFF9C00  }
0x256: {  	_ =	swait.ge [sflag:s7], $0x6400  }
0x257: {  	[sflag:s7] =	ssyncset.done $0x0  }
0x258: {  	[sflag:s7] =	ssyncadd.s32 $0xFFFF9C00  }
0x259: {  	[tilespmem:s3], [sflag:$0x1] =	stream.indirect.gather [hbm4b:s2+s8], $0x40, s26, s8, $0xb8;
	[tilespmem:$0xEF10] =	vst v63  }
0x25a: {  	s28 =	rddreg [dreg:$0xd]  }
0x25b: {  	[hbm4b:s28+s4] =	stream.strided.scatter [tilespmem:s9], [sflag:$0x2], $0x6400, s6, s4, $0x38;
	[tilespmem:$0xEF10] =	vst v63  }
0x25c: {  	_ =	swait.ge [sflag:s5], $0x6400  }
0x25d: {  	[sflag:s5] =	ssyncset.done $0x0  }
0x25e: {  	[sflag:s5] =	ssyncadd.s32 $0xFFFF9C00  }
0x25f: {  	_ =	swait.ge [sflag:s7], $0x6400  }
0x260: {  	[sflag:s7] =	ssyncset.done $0x0  }
0x261: {  	[sflag:s7] =	ssyncadd.s32 $0xFFFF9C00  }
0x262: {  	[tilespmem:s9], [sflag:$0x1] =	stream.indirect.gather [hbm4b:s2+s8], $0x40, s24, s8, $0xb8;
	[tilespmem:$0xEF10] =	vst v63  }
0x263: {  	s29 =	rddreg [dreg:$0xe]  }
0x264: {  	[hbm4b:s29+s4] =	stream.strided.scatter [tilespmem:s3], [sflag:$0x2], $0x6400, s6, s4, $0x38;
	[tilespmem:$0xEF10] =	vst v63  }
0x265: {  	_ =	swait.ge [sflag:s5], $0x6400  }
0x266: {  	[sflag:s5] =	ssyncset.done $0x0  }
0x267: {  	[sflag:s5] =	ssyncadd.s32 $0xFFFF9C00  }
0x268: {  	_ =	swait.ge [sflag:s7], $0x6400  }
0x269: {  	[sflag:s7] =	ssyncset.done $0x0  }
0x26a: {  	[sflag:s7] =	ssyncadd.s32 $0xFFFF9C00  }
0x26b: {  	[tilespmem:s3], [sflag:$0x1] =	stream.indirect.gather [hbm4b:s2+s8], $0x40, s23, s8, $0xb8;
	[tilespmem:$0xEF10] =	vst v63  }
0x26c: {  	s30 =	rddreg [dreg:$0xf]  }
0x26d: {  	[hbm4b:s30+s4] =	stream.strided.scatter [tilespmem:s9], [sflag:$0x2], $0x6400, s6, s4, $0x38;
	[tilespmem:$0xEF10] =	vst v63  }
0x26e: {  	_ =	swait.ge [sflag:s5], $0x6400  }
0x26f: {  	[sflag:s5] =	ssyncset.done $0x0  }
0x270: {  	[sflag:s5] =	ssyncadd.s32 $0xFFFF9C00  }
0x271: {  	_ =	swait.ge [sflag:s7], $0x6400  }
0x272: {  	[sflag:s7] =	ssyncset.done $0x0  }
0x273: {  	[sflag:s7] =	ssyncadd.s32 $0xFFFF9C00  }
0x274: {  	[tilespmem:s9], [sflag:$0x1] =	stream.indirect.gather [hbm4b:s2+s8], $0x40, s22, s8, $0xb8;
	[tilespmem:$0xEF10] =	vst v63  }
0x275: {  	s31 =	rddreg [dreg:$0x10]  }
0x276: {  	[hbm4b:s31+s4] =	stream.strided.scatter [tilespmem:s3], [sflag:$0x2], $0x6400, s6, s4, $0x38;
	[tilespmem:$0xEF10] =	vst v63  }
0x277: {  	_ =	swait.ge [sflag:s5], $0x6400  }
0x278: {  	[sflag:s5] =	ssyncset.done $0x0  }
0x279: {  	[sflag:s5] =	ssyncadd.s32 $0xFFFF9C00  }
0x27a: {  	_ =	swait.ge [sflag:s7], $0x6400  }
0x27b: {  	[sflag:s7] =	ssyncset.done $0x0  }
0x27c: {  	[sflag:s7] =	ssyncadd.s32 $0xFFFF9C00  }
0x27d: {  	[tilespmem:s3], [sflag:$0x1] =	stream.indirect.gather [hbm4b:s2+s8], $0x40, s21, s8, $0xb8;
	[tilespmem:$0xEF10] =	vst v63  }
0x27e: {  	s1 =	rddreg [dreg:$0x11]  }
0x27f: {  	[hbm4b:s1+s4] =	stream.strided.scatter [tilespmem:s9], [sflag:$0x2], $0x6400, s6, s4, $0x38;
	[tilespmem:$0xEF10] =	vst v63  }
0x280: {  	_ =	swait.ge [sflag:s5], $0x6400  }
0x281: {  	[sflag:s5] =	ssyncset.done $0x0  }
0x282: {  	[sflag:s5] =	ssyncadd.s32 $0xFFFF9C00  }
0x283: {  	_ =	swait.ge [sflag:s7], $0x6400  }
0x284: {  	[sflag:s7] =	ssyncset.done $0x0  }
0x285: {  	[sflag:s7] =	ssyncadd.s32 $0xFFFF9C00  }
0x286: {  	[tilespmem:s9], [sflag:$0x1] =	stream.indirect.gather [hbm4b:s2+s8], $0x40, s20, s8, $0xb8;
	[tilespmem:$0xEF10] =	vst v63  }
0x287: {  	s11 =	rddreg [dreg:$0x12]  }
0x288: {  	[hbm4b:s11+s4] =	stream.strided.scatter [tilespmem:s3], [sflag:$0x2], $0x6400, s6, s4, $0x38;
	[tilespmem:$0xEF10] =	vst v63  }
0x289: {  	_ =	swait.ge [sflag:s5], $0x6400  }
0x28a: {  	[sflag:s5] =	ssyncset.done $0x0  }
0x28b: {  	[sflag:s5] =	ssyncadd.s32 $0xFFFF9C00  }
0x28c: {  	_ =	swait.ge [sflag:s7], $0x6400  }
0x28d: {  	[sflag:s7] =	ssyncset.done $0x0  }
0x28e: {  	[sflag:s7] =	ssyncadd.s32 $0xFFFF9C00  }
0x28f: {  	[tilespmem:s3], [sflag:$0x1] =	stream.indirect.gather [hbm4b:s2+s8], $0x40, s19, s8, $0xb8;
	[tilespmem:$0xEF10] =	vst v63  }
0x290: {  	s20 =	rddreg [dreg:$0x13]  }
0x291: {  	[hbm4b:s20+s4] =	stream.strided.scatter [tilespmem:s9], [sflag:$0x2], $0x6400, s6, s4, $0x38;
	[tilespmem:$0xEF10] =	vst v63  }
0x292: {  	_ =	swait.ge [sflag:s5], $0x6400  }
0x293: {  	[sflag:s5] =	ssyncset.done $0x0  }
0x294: {  	[sflag:s5] =	ssyncadd.s32 $0xFFFF9C00  }
0x295: {  	_ =	swait.ge [sflag:s7], $0x6400  }
0x296: {  	[sflag:s7] =	ssyncset.done $0x0  }
0x297: {  	[sflag:s7] =	ssyncadd.s32 $0xFFFF9C00  }
0x298: {  	[tilespmem:s9], [sflag:$0x1] =	stream.indirect.gather [hbm4b:s2+s8], $0x40, s18, s8, $0xb8;
	[tilespmem:$0xEF10] =	vst v63  }
0x299: {  	s21 =	rddreg [dreg:$0x14]  }
0x29a: {  	[hbm4b:s21+s4] =	stream.strided.scatter [tilespmem:s3], [sflag:$0x2], $0x6400, s6, s4, $0x38;
	[tilespmem:$0xEF10] =	vst v63  }
0x29b: {  	_ =	swait.ge [sflag:s5], $0x6400  }
0x29c: {  	[sflag:s5] =	ssyncset.done $0x0  }
0x29d: {  	[sflag:s5] =	ssyncadd.s32 $0xFFFF9C00  }
0x29e: {  	_ =	swait.ge [sflag:s7], $0x6400  }
0x29f: {  	[sflag:s7] =	ssyncset.done $0x0  }
0x2a0: {  	[sflag:s7] =	ssyncadd.s32 $0xFFFF9C00  }
0x2a1: {  	[tilespmem:s3], [sflag:$0x1] =	stream.indirect.gather [hbm4b:s2+s8], $0x40, s17, s8, $0xb8;
	[tilespmem:$0xEF10] =	vst v63  }
0x2a2: {  	s22 =	rddreg [dreg:$0x15]  }
0x2a3: {  	[hbm4b:s22+s4] =	stream.strided.scatter [tilespmem:s9], [sflag:$0x2], $0x6400, s6, s4, $0x38;
	[tilespmem:$0xEF10] =	vst v63  }
0x2a4: {  	_ =	swait.ge [sflag:s5], $0x6400  }
0x2a5: {  	[sflag:s5] =	ssyncset.done $0x0  }
0x2a6: {  	[sflag:s5] =	ssyncadd.s32 $0xFFFF9C00  }
0x2a7: {  	_ =	swait.ge [sflag:s7], $0x6400  }
0x2a8: {  	[sflag:s7] =	ssyncset.done $0x0  }
0x2a9: {  	[sflag:s7] =	ssyncadd.s32 $0xFFFF9C00  }
0x2aa: {  	[tilespmem:s9], [sflag:$0x1] =	stream.indirect.gather [hbm4b:s2+s8], $0x40, s16, s8, $0xb8;
	[tilespmem:$0xEF10] =	vst v63  }
0x2ab: {  	s23 =	rddreg [dreg:$0x16]  }
0x2ac: {  	[hbm4b:s23+s4] =	stream.strided.scatter [tilespmem:s3], [sflag:$0x2], $0x6400, s6, s4, $0x38;
	[tilespmem:$0xEF10] =	vst v63  }
0x2ad: {  	_ =	swait.ge [sflag:s5], $0x6400  }
0x2ae: {  	[sflag:s5] =	ssyncset.done $0x0  }
0x2af: {  	[sflag:s5] =	ssyncadd.s32 $0xFFFF9C00  }
0x2b0: {  	_ =	swait.ge [sflag:s7], $0x6400  }
0x2b1: {  	[sflag:s7] =	ssyncset.done $0x0  }
0x2b2: {  	[sflag:s7] =	ssyncadd.s32 $0xFFFF9C00  }
0x2b3: {  	[tilespmem:s3], [sflag:$0x1] =	stream.indirect.gather [hbm4b:s2+s8], $0x40, s15, s8, $0xb8;
	[tilespmem:$0xEF10] =	vst v63  }
0x2b4: {  	s24 =	rddreg [dreg:$0x17]  }
0x2b5: {  	[hbm4b:s24+s4] =	stream.strided.scatter [tilespmem:s9], [sflag:$0x2], $0x6400, s6, s4, $0x38;
	[tilespmem:$0xEF10] =	vst v63  }
0x2b6: {  	_ =	swait.ge [sflag:s5], $0x6400  }
0x2b7: {  	[sflag:s5] =	ssyncset.done $0x0  }
0x2b8: {  	[sflag:s5] =	ssyncadd.s32 $0xFFFF9C00  }
0x2b9: {  	_ =	swait.ge [sflag:s7], $0x6400  }
0x2ba: {  	[sflag:s7] =	ssyncset.done $0x0  }
0x2bb: {  	[sflag:s7] =	ssyncadd.s32 $0xFFFF9C00  }
0x2bc: {  	[tilespmem:s9], [sflag:$0x1] =	stream.indirect.gather [hbm4b:s2+s8], $0x40, s14, s8, $0xb8;
	[tilespmem:$0xEF10] =	vst v63  }
0x2bd: {  	s25 =	rddreg [dreg:$0x18]  }
0x2be: {  	[hbm4b:s25+s4] =	stream.strided.scatter [tilespmem:s3], [sflag:$0x2], $0x6400, s6, s4, $0x38;
	[tilespmem:$0xEF10] =	vst v63  }
0x2bf: {  	_ =	swait.ge [sflag:s5], $0x6400  }
0x2c0: {  	[sflag:s5] =	ssyncset.done $0x0  }
0x2c1: {  	[sflag:s5] =	ssyncadd.s32 $0xFFFF9C00  }
0x2c2: {  	_ =	swait.ge [sflag:s7], $0x6400  }
0x2c3: {  	[sflag:s7] =	ssyncset.done $0x0  }
0x2c4: {  	[sflag:s7] =	ssyncadd.s32 $0xFFFF9C00  }
0x2c5: {  	[tilespmem:s3], [sflag:$0x1] =	stream.indirect.gather [hbm4b:s2+s8], $0x40, s13, s8, $0xb8;
	[tilespmem:$0xEF10] =	vst v63  }
0x2c6: {  	s26 =	rddreg [dreg:$0x19]  }
0x2c7: {  	[hbm4b:s26+s4] =	stream.strided.scatter [tilespmem:s9], [sflag:$0x2], $0x6400, s6, s4, $0x38;
	[tilespmem:$0xEF10] =	vst v63  }
0x2c8: {  	_ =	swait.ge [sflag:s5], $0x6400  }
0x2c9: {  	[sflag:s5] =	ssyncset.done $0x0  }
0x2ca: {  	[sflag:s5] =	ssyncadd.s32 $0xFFFF9C00  }
0x2cb: {  	_ =	swait.ge [sflag:s7], $0x6400  }
0x2cc: {  	[sflag:s7] =	ssyncset.done $0x0  }
0x2cd: {  	[sflag:s7] =	ssyncadd.s32 $0xFFFF9C00  }
0x2ce: {  	[tilespmem:s9], [sflag:$0x1] =	stream.indirect.gather [hbm4b:s2+s8], $0x40, s12, s8, $0xb8;
	[tilespmem:$0xEF10] =	vst v63  }
0x2cf: {  	s28 =	rddreg [dreg:$0x1a]  }
0x2d0: {  	[hbm4b:s28+s4] =	stream.strided.scatter [tilespmem:s3], [sflag:$0x2], $0x6400, s6, s4, $0x38;
	[tilespmem:$0xEF10] =	vst v63  }
0x2d1: {  	_ =	swait.ge [sflag:s5], $0x6400  }
0x2d2: {  	[sflag:s5] =	ssyncset.done $0x0  }
0x2d3: {  	[sflag:s5] =	ssyncadd.s32 $0xFFFF9C00  }
0x2d4: {  	_ =	swait.ge [sflag:s7], $0x6400  }
0x2d5: {  	[sflag:s7] =	ssyncset.done $0x0  }
0x2d6: {  	s30 =	simm.s32 $0x2580;
	[sflag:s7] =	ssyncadd.s32 $0xFFFF9C00  }
0x2d7: {  	[tilespmem:s3], [sflag:$0x1] =	stream.indirect.gather [hbm4b:s2+s8], $0x40, s30, s8, $0xb8;
	[tilespmem:$0xEF10] =	vst v63  }
0x2d8: {  	s29 =	rddreg [dreg:$0x1b]  }
0x2d9: {  	[hbm4b:s29+s4] =	stream.strided.scatter [tilespmem:s9], [sflag:$0x2], $0x6400, s6, s4, $0x38;
	[tilespmem:$0xEF10] =	vst v63  }
0x2da: {  	_ =	swait.ge [sflag:s5], $0x6400  }
0x2db: {  	[sflag:s5] =	ssyncset.done $0x0  }
0x2dc: {  	[sflag:s5] =	ssyncadd.s32 $0xFFFF9C00  }
0x2dd: {  	_ =	swait.ge [sflag:s7], $0x6400  }
0x2de: {  	[sflag:s7] =	ssyncset.done $0x0  }
0x2df: {  	s31 =	rddreg [dreg:$0x1c];
	[sflag:s7] =	ssyncadd.s32 $0xFFFF9C00  }
0x2e0: {  	[hbm4b:s31+s4] =	stream.strided.scatter [tilespmem:s3], [sflag:$0x2], $0x6400, s6, s4, $0x38;
	[tilespmem:$0xEF10] =	vst v63  }
0x2e1: {  	_ =	swait.ge [sflag:s7], $0x6400  }
0x2e2: {  	[sflag:s7] =	ssyncset.done $0x0  }
0x2e3: {  	[sflag:s7] =	ssyncadd.s32 $0xFFFF9C00  }
0x2e4: {  	_ =	sfence.sel $0x180000  }
0x2e5: {  	[bflag:$0x0] =	sbarrier.arrive $0xFFFF  }
0x2e6: {  	_ =	strace $0x90000047  }
0x2e7: {  	[bflag:$0x2] =	sbarrier.arrive $0xFFFF  }
0x2e8: {  	p0 =	sne.s32 s10, $0x0;
	s0 =	rddreg [dreg:$0x2]  }
0x2e9: {  	s0 =	sadd.s32 @!p0 $0x100000, s0  }
0x2ea: {  	[sflag:s0] =	ssyncadd.tile.s32 @!p0 $0x1;
	_ =	shalt  }
.LBB2_1:
0x2eb: {  	s11 =	simm.s32 $0x960  }
0x2ec: {  	s30 =	simm.s32 $0xAF0;
	s29 =	simm.s32 $0xC80;
	s28 =	simm.s32 $0xE10  }
.Ltmp3:
0x2ed: {  	s26 =	simm.s32 $0xFA0;
	s24 =	simm.s32 $0x1130;
	(pc) =	sbr.rel .LBB2_6-.Ltmp3, $4  }
0x2ee: {  	s23 =	simm.s32 $0x12C0;
	s22 =	simm.s32 $0x1450;
	s21 =	simm.s32 $0x15E0  }
0x2ef: {  	s20 =	simm.s32 $0x1770;
	s19 =	simm.s32 $0x1900;
	s18 =	simm.s32 $0x1A90  }
0x2f0: {  	s17 =	simm.s32 $0x1C20;
	s16 =	simm.s32 $0x1DB0;
	s15 =	simm.s32 $0x1F40  }
0x2f1: {  	s14 =	simm.s32 $0x20D0;
	s13 =	simm.s32 $0x2260;
	s12 =	simm.s32 $0x23F0  }
.LBB2_3:
0x2f2: {  	s11 =	simm.s32 $0x960;
	s30 =	simm.s32 $0xAF0  }
0x2f3: {  	s29 =	simm.s32 $0xC80;
	s28 =	simm.s32 $0xE10;
	s26 =	simm.s32 $0xFA0  }
.Ltmp4:
0x2f4: {  	s24 =	simm.s32 $0x1130;
	s23 =	simm.s32 $0x12C0;
	(pc) =	sbr.rel .LBB2_6-.Ltmp4, $4  }
0x2f5: {  	s22 =	simm.s32 $0x1450;
	s21 =	simm.s32 $0x15E0;
	s20 =	simm.s32 $0x1770  }
0x2f6: {  	s19 =	simm.s32 $0x1900;
	s18 =	simm.s32 $0x1A90;
	s17 =	simm.s32 $0x1C20  }
0x2f7: {  	s16 =	simm.s32 $0x1DB0;
	s15 =	simm.s32 $0x1F40;
	s14 =	simm.s32 $0x20D0  }
0x2f8: {  	s13 =	simm.s32 $0x2260;
	s12 =	simm.s32 $0x23F0;
	s10 =	stileid.u32  }
.Lfunc_end2:
_tile_overlayer_lowered:
.L_overlay_start_2:
0x2f9: {  	(tag) =	ssettag $0x2  }
0x2fa: {  	s0 =	rddreg [dreg:$0x0];
	s2 =	stileid.u32  }
0x2fb: {  	s1 =	rddreg [dreg:$0x1];
	p0 =	sne.s32 s2, $0x0  }
0x2fc: {  	s3 =	rddreg [dreg:$0x2];
	[bflag:$0x3] =	sbarrier.arrive $0xFFFF;
	s2 =	simm.s32 @!p0 $0x1C03  }
0x2fd: {  	[timem:s3], [sflag:s2] =	dma.local @!p0 [hbm:s0], s1  }
0x2fe: {  	s0 =	simm.s32 @!p0 $0x3  }
0x2ff: {  	_ =	swait.ge @!p0 [sflag:s0], s1  }
0x300: {  	s1 =	ssub.s32 @!p0 $0x0, s1;
	[sflag:s0] =	ssyncset.done @!p0 $0x0  }
0x301: {  	[sflag:s0] =	ssyncadd.s32 @!p0 s1  }
0x302: {  	[bflag:$0x3] =	sbarrier.arrive $0xFFFF  }
0x303: {  	_ =	shalt  }

</sc_bundles>
